<compile_context>
chip_gen: v7x
topology: tpu7x:2x2x1
jax: 0.10.2.dev20260603
libtpu: 0.0.44.dev20260713+nightly
codegen_flags: <defaults>
</compile_context>

<pallas_src>
import functools

import jax
import jax.numpy as jnp
from jax import lax
from jax.experimental import pallas as pl
from jax.experimental.pallas import tpu as pltpu
from jax.experimental.pallas import tpu_sc as plsc

_NW = 32
_CHUNK = 16384
_LANES = 16
_UNROLL = 8


def _add_chunk(xbuf, pbuf, obuf):
    def add_body(j, c):
        base = j * (_LANES * _UNROLL)
        for u in range(_UNROLL):
            sl = pl.ds(base + u * _LANES, _LANES)
            obuf[sl] = xbuf[sl] + pbuf[sl]
        return c

    lax.fori_loop(0, _CHUNK // (_LANES * _UNROLL), add_body, 0)


def _sc_body(x_hbm, pos_hbm, out_hbm,
             xb0, pb0, ob0, xb1, pb1, ob1,
             sin0, sin1, sout0, sout1,
             *, per_w, pos_words):
    wid = lax.axis_index("s") * 2 + lax.axis_index("c")
    xoff = pl.multiple_of(wid * per_w, _CHUNK)
    poff = pl.multiple_of((wid * per_w) % pos_words, _CHUNK)
    n_pairs = per_w // (2 * _CHUNK)

    def in_copy(k, xb, pb, sem):
        base = pl.multiple_of(xoff + k * _CHUNK, _CHUNK)
        pbase = pl.multiple_of(poff + k * _CHUNK, _CHUNK)
        cx = pltpu.make_async_copy(x_hbm.at[pl.ds(base, _CHUNK)], xb, sem)
        cp = pltpu.make_async_copy(pos_hbm.at[pl.ds(pbase, _CHUNK)], pb, sem)
        cx.start()
        cp.start()
        return cx, cp

    def out_copy(k, ob, sem):
        base = pl.multiple_of(xoff + k * _CHUNK, _CHUNK)
        c = pltpu.make_async_copy(ob, out_hbm.at[pl.ds(base, _CHUNK)], sem)
        c.start()
        return c

    cx0, cp0 = in_copy(0, xb0, pb0, sin0)
    cx1, cp1 = in_copy(1, xb1, pb1, sin1)

    def pair_body(j, c):
        k0 = j * 2
        pltpu.make_async_copy(x_hbm.at[pl.ds(0, _CHUNK)], xb0, sin0).wait()
        pltpu.make_async_copy(pos_hbm.at[pl.ds(0, _CHUNK)], pb0, sin0).wait()
        _add_chunk(xb0, pb0, ob0)
        o0 = out_copy(k0, ob0, sout0)

        pltpu.make_async_copy(x_hbm.at[pl.ds(0, _CHUNK)], xb1, sin1).wait()
        pltpu.make_async_copy(pos_hbm.at[pl.ds(0, _CHUNK)], pb1, sin1).wait()
        _add_chunk(xb1, pb1, ob1)
        o1 = out_copy(k0 + 1, ob1, sout1)

        @pl.when(j + 1 < n_pairs)
        def _():
            in_copy(k0 + 2, xb0, pb0, sin0)
            in_copy(k0 + 3, xb1, pb1, sin1)

        pltpu.make_async_copy(ob0, out_hbm.at[pl.ds(0, _CHUNK)], sout0).wait()
        pltpu.make_async_copy(ob1, out_hbm.at[pl.ds(0, _CHUNK)], sout1).wait()
        return c

    lax.fori_loop(0, n_pairs, pair_body, 0)


def kernel(x, position_embeddings):
    B, T, C = x.shape
    pos = position_embeddings[:T]
    x_words = B * T * C
    pos_words = T * C
    per_w = x_words // _NW

    mesh = plsc.VectorSubcoreMesh(core_axis_name="c", subcore_axis_name="s")
    sc_call = pl.kernel(
        functools.partial(_sc_body, per_w=per_w, pos_words=pos_words),
        mesh=mesh,
        out_type=jax.ShapeDtypeStruct((x_words,), jnp.float32),
        scratch_types=[
            pltpu.VMEM((_CHUNK,), jnp.float32),
            pltpu.VMEM((_CHUNK,), jnp.float32),
            pltpu.VMEM((_CHUNK,), jnp.float32),
            pltpu.VMEM((_CHUNK,), jnp.float32),
            pltpu.VMEM((_CHUNK,), jnp.float32),
            pltpu.VMEM((_CHUNK,), jnp.float32),
            pltpu.SemaphoreType.DMA,
            pltpu.SemaphoreType.DMA,
            pltpu.SemaphoreType.DMA,
            pltpu.SemaphoreType.DMA,
        ],
    )
    out = sc_call(x.reshape(-1), pos.reshape(-1))
    return out.reshape(B, T, C)

# --- scband reference (transcript-rebuilt; emitter-appended) ---
"""Pipeline reference for scband-learned-position-embedding-14697378086954 (READ-ONLY COPY).

The authoritative reference and input builder live on the scoring server;
editing this copy changes nothing except your own understanding.
"""

import jax, jax.numpy as jnp
import numpy as np

EMBED_DIM = 1024
MAX_LEN = 8192

def setup_inputs(seed: int = 0) -> dict:
    key = jax.random.key(seed)
    k1, k2 = jax.random.split(key)
    x = jax.random.normal(k1, (4, 8192, 1024), dtype=jnp.float32)
    # nn.Embedding default init: N(0, 1)
    position_embeddings = jax.random.normal(k2, (MAX_LEN, EMBED_DIM), dtype=jnp.float32)
    return {"x": x, "position_embeddings": position_embeddings}

def reference(x, position_embeddings):
    B, T, C = x.shape
    position_indices = jnp.arange(0, T)
    position_encodings = jnp.take(position_embeddings, position_indices, axis=0)
    position_encodings = position_encodings[None, :, :]
    return x + position_encodings

if __name__ == "__main__":
    import jax
    _d = setup_inputs()
    print(jax.jit(kernel)(*tuple(_d.values())))

</pallas_src>

<mosaic_0001>
#map = affine_map<(d0, d1) -> (0)>
module attributes {stable_mosaic.version = 14 : i64} {
  func.func @_sc_body(%arg0: i32, %arg1: i32, %arg2: memref<33554432xf32, #tpu.memory_space<hbm>>, %arg3: memref<8388608xf32, #tpu.memory_space<hbm>>, %arg4: memref<33554432xf32, #tpu.memory_space<hbm>>, %arg5: memref<16384xf32, #tpu.memory_space<vmem>>, %arg6: memref<16384xf32, #tpu.memory_space<vmem>>, %arg7: memref<16384xf32, #tpu.memory_space<vmem>>, %arg8: memref<16384xf32, #tpu.memory_space<vmem>>, %arg9: memref<16384xf32, #tpu.memory_space<vmem>>, %arg10: memref<16384xf32, #tpu.memory_space<vmem>>, %arg11: memref<!tpu.dma_semaphore, #tpu.memory_space<semaphore_mem>>, %arg12: memref<!tpu.dma_semaphore, #tpu.memory_space<semaphore_mem>>, %arg13: memref<!tpu.dma_semaphore, #tpu.memory_space<semaphore_mem>>, %arg14: memref<!tpu.dma_semaphore, #tpu.memory_space<semaphore_mem>>) attributes {dimension_semantics = [#tpu.dimension_semantics<core_parallel>, #tpu.dimension_semantics<subcore_parallel>], iteration_bounds = array<i64: 2, 16>, scalar_prefetch = 0 : i64, scratch_operands = 10 : i64, tpu.core_type = #tpu.core_type<sc_vector_subcore>, window_params = [{transform_indices = #map}, {transform_indices = #map}, {transform_indices = #map}]} {
    %mul3A = arith.constant 2 : i32
    %mul3A_0 = arith.muli %arg1, %mul3A : i32
    %add3A = arith.addi %mul3A_0, %arg0 : i32
    %mul3A_1 = arith.constant 1048576 : i32
    %mul3A_2 = arith.muli %add3A, %mul3A_1 : i32
    %multiple_of3A = tpu.assume_multiple %mul3A_2, 16384 : i32
    %mul3A_3 = arith.constant 1048576 : i32
    %mul3A_4 = arith.muli %add3A, %mul3A_3 : i32
    %jit3A = arith.constant 8388608 : i32
    %eq3A = arith.constant 0 : i32
    %eq3A_5 = arith.cmpi eq, %jit3A, %eq3A : i32
    %jit3A_6 = arith.constant 1 : i32
    %select_n3A = arith.select %eq3A_5, %jit3A_6, %jit3A : i32
    %rem3A = arith.remsi %mul3A_4, %select_n3A : i32
    %ne3A = arith.constant 0 : i32
    %ne3A_7 = arith.cmpi ne, %rem3A, %ne3A : i32
    %lt3A = arith.constant 0 : i32
    %lt3A_8 = arith.cmpi slt, %rem3A, %lt3A : i32
    %lt3A_9 = arith.constant 0 : i32
    %lt3A_10 = arith.cmpi slt, %select_n3A, %lt3A_9 : i32
    %ne3A_11 = arith.xori %lt3A_8, %lt3A_10 : i1
    %and3A = arith.andi %ne3A_11, %ne3A_7 : i1
    %add3A_12 = arith.addi %rem3A, %select_n3A : i32
    %select_n3A_13 = arith.select %and3A, %add3A_12, %rem3A : i32
    %multiple_of3A_14 = tpu.assume_multiple %select_n3A_13, 16384 : i32
    %add3A_15 = arith.constant 0 : i32
    %add3A_16 = arith.addi %multiple_of3A, %add3A_15 : i32
    %multiple_of3A_17 = tpu.assume_multiple %add3A_16, 16384 : i32
    %add3A_18 = arith.constant 0 : i32
    %add3A_19 = arith.addi %multiple_of3A_14, %add3A_18 : i32
    %multiple_of3A_20 = tpu.assume_multiple %add3A_19, 16384 : i32
    %dma_start3A = tpu.memref_slice %arg2[%multiple_of3A_17] : memref<33554432xf32, #tpu.memory_space<hbm>> -> memref<16384xf32, #tpu.memory_space<hbm>>
    %dma_start3A_21 = tpu.memref_slice %arg2[%multiple_of3A_17] : memref<33554432xf32, #tpu.memory_space<hbm>> -> memref<16384xf32, #tpu.memory_space<hbm>>
    tpu.enqueue_dma source(%dma_start3A_21 : memref<16384xf32, #tpu.memory_space<hbm>>) target(%arg5 : memref<16384xf32, #tpu.memory_space<vmem>>) target_semaphore(%arg11 : memref<!tpu.dma_semaphore, #tpu.memory_space<semaphore_mem>>)
    %dma_start3A_22 = tpu.memref_slice %arg3[%multiple_of3A_20] : memref<8388608xf32, #tpu.memory_space<hbm>> -> memref<16384xf32, #tpu.memory_space<hbm>>
    %dma_start3A_23 = tpu.memref_slice %arg3[%multiple_of3A_20] : memref<8388608xf32, #tpu.memory_space<hbm>> -> memref<16384xf32, #tpu.memory_space<hbm>>
    tpu.enqueue_dma source(%dma_start3A_23 : memref<16384xf32, #tpu.memory_space<hbm>>) target(%arg6 : memref<16384xf32, #tpu.memory_space<vmem>>) target_semaphore(%arg11 : memref<!tpu.dma_semaphore, #tpu.memory_space<semaphore_mem>>)
    %add3A_24 = arith.constant 16384 : i32
    %add3A_25 = arith.addi %multiple_of3A, %add3A_24 : i32
    %multiple_of3A_26 = tpu.assume_multiple %add3A_25, 16384 : i32
    %add3A_27 = arith.constant 16384 : i32
    %add3A_28 = arith.addi %multiple_of3A_14, %add3A_27 : i32
    %multiple_of3A_29 = tpu.assume_multiple %add3A_28, 16384 : i32
    %dma_start3A_30 = tpu.memref_slice %arg2[%multiple_of3A_26] : memref<33554432xf32, #tpu.memory_space<hbm>> -> memref<16384xf32, #tpu.memory_space<hbm>>
    %dma_start3A_31 = tpu.memref_slice %arg2[%multiple_of3A_26] : memref<33554432xf32, #tpu.memory_space<hbm>> -> memref<16384xf32, #tpu.memory_space<hbm>>
    tpu.enqueue_dma source(%dma_start3A_31 : memref<16384xf32, #tpu.memory_space<hbm>>) target(%arg8 : memref<16384xf32, #tpu.memory_space<vmem>>) target_semaphore(%arg12 : memref<!tpu.dma_semaphore, #tpu.memory_space<semaphore_mem>>)
    %dma_start3A_32 = tpu.memref_slice %arg3[%multiple_of3A_29] : memref<8388608xf32, #tpu.memory_space<hbm>> -> memref<16384xf32, #tpu.memory_space<hbm>>
    %dma_start3A_33 = tpu.memref_slice %arg3[%multiple_of3A_29] : memref<8388608xf32, #tpu.memory_space<hbm>> -> memref<16384xf32, #tpu.memory_space<hbm>>
    tpu.enqueue_dma source(%dma_start3A_33 : memref<16384xf32, #tpu.memory_space<hbm>>) target(%arg9 : memref<16384xf32, #tpu.memory_space<vmem>>) target_semaphore(%arg12 : memref<!tpu.dma_semaphore, #tpu.memory_space<semaphore_mem>>)
    %scan3A = arith.constant 0 : i32
    %scan3A_34 = arith.constant 0 : i32
    %scan3A_35 = arith.constant 32 : i32
    %scan3A_36 = arith.addi %scan3A_34, %scan3A_35 : i32
    %scan3A_37 = arith.constant 1 : i32
    scf.for %scan3A_39 = %scan3A_34 to %scan3A_36 step %scan3A_37  : i32 {
      %mul3A_40 = arith.constant 2 : i32
      %mul3A_41 = arith.muli %scan3A_39, %mul3A_40 : i32
      %dma_wait3A = arith.constant 0 : i32
      %dma_wait3A_42 = tpu.memref_slice %arg2[%dma_wait3A] : memref<33554432xf32, #tpu.memory_space<hbm>> -> memref<16384xf32, #tpu.memory_space<hbm>>
      %dma_wait3A_43 = arith.constant 0 : i32
      %dma_wait3A_44 = tpu.memref_slice %arg2[%dma_wait3A_43] : memref<33554432xf32, #tpu.memory_space<hbm>> -> memref<16384xf32, #tpu.memory_space<hbm>>
      tpu.wait_dma2 semaphore(%arg11 : memref<!tpu.dma_semaphore, #tpu.memory_space<semaphore_mem>>) src(%dma_wait3A_44 : memref<16384xf32, #tpu.memory_space<hbm>>) dst(%arg5 : memref<16384xf32, #tpu.memory_space<vmem>>)
      %dma_wait3A_45 = arith.constant 0 : i32
      %dma_wait3A_46 = tpu.memref_slice %arg3[%dma_wait3A_45] : memref<8388608xf32, #tpu.memory_space<hbm>> -> memref<16384xf32, #tpu.memory_space<hbm>>
      %dma_wait3A_47 = arith.constant 0 : i32
      %dma_wait3A_48 = tpu.memref_slice %arg3[%dma_wait3A_47] : memref<8388608xf32, #tpu.memory_space<hbm>> -> memref<16384xf32, #tpu.memory_space<hbm>>
      tpu.wait_dma2 semaphore(%arg11 : memref<!tpu.dma_semaphore, #tpu.memory_space<semaphore_mem>>) src(%dma_wait3A_48 : memref<16384xf32, #tpu.memory_space<hbm>>) dst(%arg6 : memref<16384xf32, #tpu.memory_space<vmem>>)
      %scan3A_49 = arith.constant 0 : i32
      %scan3A_50 = arith.constant 0 : i32
      %scan3A_51 = arith.constant 128 : i32
      %scan3A_52 = arith.addi %scan3A_50, %scan3A_51 : i32
      %scan3A_53 = arith.constant 1 : i32
      scf.for %scan3A_96 = %scan3A_50 to %scan3A_52 step %scan3A_53  : i32 {
        %mul3A_97 = arith.constant 128 : i32
        %mul3A_98 = arith.muli %scan3A_96, %mul3A_97 : i32
        %add3A_99 = arith.constant 0 : i32
        %add3A_100 = arith.addi %mul3A_98, %add3A_99 : i32
        %get3A = arith.index_cast %add3A_100 : i32 to index
        %get3A_101 = tpu.vector_load %arg5[%get3A] {strides = array<i32>} : memref<16384xf32, #tpu.memory_space<vmem>>, vector<16xf32>,
        %get3A_102 = vector.shape_cast %get3A_101 : vector<16xf32> to vector<16xf32>
        %get3A_103 = arith.index_cast %add3A_100 : i32 to index
        %get3A_104 = tpu.vector_load %arg6[%get3A_103] {strides = array<i32>} : memref<16384xf32, #tpu.memory_space<vmem>>, vector<16xf32>,
        %get3A_105 = vector.shape_cast %get3A_104 : vector<16xf32> to vector<16xf32>
        %add3A_106 = arith.addf %get3A_102, %get3A_105 : vector<16xf32>
        %swap3A = arith.index_cast %add3A_100 : i32 to index
        %swap3A_107 = tpu.vector_load %arg7[%swap3A] {strides = array<i32>} : memref<16384xf32, #tpu.memory_space<vmem>>, vector<16xf32>,
        %swap3A_108 = vector.shape_cast %swap3A_107 : vector<16xf32> to vector<16xf32>
        %swap3A_109 = vector.shape_cast %add3A_106 : vector<16xf32> to vector<16xf32>
        tpu.vector_store %arg7[%swap3A], %swap3A_109 {strides = array<i32>} : memref<16384xf32, #tpu.memory_space<vmem>>, vector<16xf32>,
        %add3A_110 = arith.constant 16 : i32
        %add3A_111 = arith.addi %mul3A_98, %add3A_110 : i32
        %get3A_112 = arith.index_cast %add3A_111 : i32 to index
        %get3A_113 = tpu.vector_load %arg5[%get3A_112] {strides = array<i32>} : memref<16384xf32, #tpu.memory_space<vmem>>, vector<16xf32>,
        %get3A_114 = vector.shape_cast %get3A_113 : vector<16xf32> to vector<16xf32>
        %get3A_115 = arith.index_cast %add3A_111 : i32 to index
        %get3A_116 = tpu.vector_load %arg6[%get3A_115] {strides = array<i32>} : memref<16384xf32, #tpu.memory_space<vmem>>, vector<16xf32>,
        %get3A_117 = vector.shape_cast %get3A_116 : vector<16xf32> to vector<16xf32>
        %add3A_118 = arith.addf %get3A_114, %get3A_117 : vector<16xf32>
        %swap3A_119 = arith.index_cast %add3A_111 : i32 to index
        %swap3A_120 = tpu.vector_load %arg7[%swap3A_119] {strides = array<i32>} : memref<16384xf32, #tpu.memory_space<vmem>>, vector<16xf32>,
        %swap3A_121 = vector.shape_cast %swap3A_120 : vector<16xf32> to vector<16xf32>
        %swap3A_122 = vector.shape_cast %add3A_118 : vector<16xf32> to vector<16xf32>
        tpu.vector_store %arg7[%swap3A_119], %swap3A_122 {strides = array<i32>} : memref<16384xf32, #tpu.memory_space<vmem>>, vector<16xf32>,
        %add3A_123 = arith.constant 32 : i32
        %add3A_124 = arith.addi %mul3A_98, %add3A_123 : i32
        %get3A_125 = arith.index_cast %add3A_124 : i32 to index
        %get3A_126 = tpu.vector_load %arg5[%get3A_125] {strides = array<i32>} : memref<16384xf32, #tpu.memory_space<vmem>>, vector<16xf32>,
        %get3A_127 = vector.shape_cast %get3A_126 : vector<16xf32> to vector<16xf32>
        %get3A_128 = arith.index_cast %add3A_124 : i32 to index
        %get3A_129 = tpu.vector_load %arg6[%get3A_128] {strides = array<i32>} : memref<16384xf32, #tpu.memory_space<vmem>>, vector<16xf32>,
        %get3A_130 = vector.shape_cast %get3A_129 : vector<16xf32> to vector<16xf32>
        %add3A_131 = arith.addf %get3A_127, %get3A_130 : vector<16xf32>
        %swap3A_132 = arith.index_cast %add3A_124 : i32 to index
        %swap3A_133 = tpu.vector_load %arg7[%swap3A_132] {strides = array<i32>} : memref<16384xf32, #tpu.memory_space<vmem>>, vector<16xf32>,
        %swap3A_134 = vector.shape_cast %swap3A_133 : vector<16xf32> to vector<16xf32>
        %swap3A_135 = vector.shape_cast %add3A_131 : vector<16xf32> to vector<16xf32>
        tpu.vector_store %arg7[%swap3A_132], %swap3A_135 {strides = array<i32>} : memref<16384xf32, #tpu.memory_space<vmem>>, vector<16xf32>,
        %add3A_136 = arith.constant 48 : i32
        %add3A_137 = arith.addi %mul3A_98, %add3A_136 : i32
        %get3A_138 = arith.index_cast %add3A_137 : i32 to index
        %get3A_139 = tpu.vector_load %arg5[%get3A_138] {strides = array<i32>} : memref<16384xf32, #tpu.memory_space<vmem>>, vector<16xf32>,
        %get3A_140 = vector.shape_cast %get3A_139 : vector<16xf32> to vector<16xf32>
        %get3A_141 = arith.index_cast %add3A_137 : i32 to index
        %get3A_142 = tpu.vector_load %arg6[%get3A_141] {strides = array<i32>} : memref<16384xf32, #tpu.memory_space<vmem>>, vector<16xf32>,
        %get3A_143 = vector.shape_cast %get3A_142 : vector<16xf32> to vector<16xf32>
        %add3A_144 = arith.addf %get3A_140, %get3A_143 : vector<16xf32>
        %swap3A_145 = arith.index_cast %add3A_137 : i32 to index
        %swap3A_146 = tpu.vector_load %arg7[%swap3A_145] {strides = array<i32>} : memref<16384xf32, #tpu.memory_space<vmem>>, vector<16xf32>,
        %swap3A_147 = vector.shape_cast %swap3A_146 : vector<16xf32> to vector<16xf32>
        %swap3A_148 = vector.shape_cast %add3A_144 : vector<16xf32> to vector<16xf32>
        tpu.vector_store %arg7[%swap3A_145], %swap3A_148 {strides = array<i32>} : memref<16384xf32, #tpu.memory_space<vmem>>, vector<16xf32>,
        %add3A_149 = arith.constant 64 : i32
        %add3A_150 = arith.addi %mul3A_98, %add3A_149 : i32
        %get3A_151 = arith.index_cast %add3A_150 : i32 to index
        %get3A_152 = tpu.vector_load %arg5[%get3A_151] {strides = array<i32>} : memref<16384xf32, #tpu.memory_space<vmem>>, vector<16xf32>,
        %get3A_153 = vector.shape_cast %get3A_152 : vector<16xf32> to vector<16xf32>
        %get3A_154 = arith.index_cast %add3A_150 : i32 to index
        %get3A_155 = tpu.vector_load %arg6[%get3A_154] {strides = array<i32>} : memref<16384xf32, #tpu.memory_space<vmem>>, vector<16xf32>,
        %get3A_156 = vector.shape_cast %get3A_155 : vector<16xf32> to vector<16xf32>
        %add3A_157 = arith.addf %get3A_153, %get3A_156 : vector<16xf32>
        %swap3A_158 = arith.index_cast %add3A_150 : i32 to index
        %swap3A_159 = tpu.vector_load %arg7[%swap3A_158] {strides = array<i32>} : memref<16384xf32, #tpu.memory_space<vmem>>, vector<16xf32>,
        %swap3A_160 = vector.shape_cast %swap3A_159 : vector<16xf32> to vector<16xf32>
        %swap3A_161 = vector.shape_cast %add3A_157 : vector<16xf32> to vector<16xf32>
        tpu.vector_store %arg7[%swap3A_158], %swap3A_161 {strides = array<i32>} : memref<16384xf32, #tpu.memory_space<vmem>>, vector<16xf32>,
        %add3A_162 = arith.constant 80 : i32
        %add3A_163 = arith.addi %mul3A_98, %add3A_162 : i32
        %get3A_164 = arith.index_cast %add3A_163 : i32 to index
        %get3A_165 = tpu.vector_load %arg5[%get3A_164] {strides = array<i32>} : memref<16384xf32, #tpu.memory_space<vmem>>, vector<16xf32>,
        %get3A_166 = vector.shape_cast %get3A_165 : vector<16xf32> to vector<16xf32>
        %get3A_167 = arith.index_cast %add3A_163 : i32 to index
        %get3A_168 = tpu.vector_load %arg6[%get3A_167] {strides = array<i32>} : memref<16384xf32, #tpu.memory_space<vmem>>, vector<16xf32>,
        %get3A_169 = vector.shape_cast %get3A_168 : vector<16xf32> to vector<16xf32>
        %add3A_170 = arith.addf %get3A_166, %get3A_169 : vector<16xf32>
        %swap3A_171 = arith.index_cast %add3A_163 : i32 to index
        %swap3A_172 = tpu.vector_load %arg7[%swap3A_171] {strides = array<i32>} : memref<16384xf32, #tpu.memory_space<vmem>>, vector<16xf32>,
        %swap3A_173 = vector.shape_cast %swap3A_172 : vector<16xf32> to vector<16xf32>
        %swap3A_174 = vector.shape_cast %add3A_170 : vector<16xf32> to vector<16xf32>
        tpu.vector_store %arg7[%swap3A_171], %swap3A_174 {strides = array<i32>} : memref<16384xf32, #tpu.memory_space<vmem>>, vector<16xf32>,
        %add3A_175 = arith.constant 96 : i32
        %add3A_176 = arith.addi %mul3A_98, %add3A_175 : i32
        %get3A_177 = arith.index_cast %add3A_176 : i32 to index
        %get3A_178 = tpu.vector_load %arg5[%get3A_177] {strides = array<i32>} : memref<16384xf32, #tpu.memory_space<vmem>>, vector<16xf32>,
        %get3A_179 = vector.shape_cast %get3A_178 : vector<16xf32> to vector<16xf32>
        %get3A_180 = arith.index_cast %add3A_176 : i32 to index
        %get3A_181 = tpu.vector_load %arg6[%get3A_180] {strides = array<i32>} : memref<16384xf32, #tpu.memory_space<vmem>>, vector<16xf32>,
        %get3A_182 = vector.shape_cast %get3A_181 : vector<16xf32> to vector<16xf32>
        %add3A_183 = arith.addf %get3A_179, %get3A_182 : vector<16xf32>
        %swap3A_184 = arith.index_cast %add3A_176 : i32 to index
        %swap3A_185 = tpu.vector_load %arg7[%swap3A_184] {strides = array<i32>} : memref<16384xf32, #tpu.memory_space<vmem>>, vector<16xf32>,
        %swap3A_186 = vector.shape_cast %swap3A_185 : vector<16xf32> to vector<16xf32>
        %swap3A_187 = vector.shape_cast %add3A_183 : vector<16xf32> to vector<16xf32>
        tpu.vector_store %arg7[%swap3A_184], %swap3A_187 {strides = array<i32>} : memref<16384xf32, #tpu.memory_space<vmem>>, vector<16xf32>,
        %add3A_188 = arith.constant 112 : i32
        %add3A_189 = arith.addi %mul3A_98, %add3A_188 : i32
        %get3A_190 = arith.index_cast %add3A_189 : i32 to index
        %get3A_191 = tpu.vector_load %arg5[%get3A_190] {strides = array<i32>} : memref<16384xf32, #tpu.memory_space<vmem>>, vector<16xf32>,
        %get3A_192 = vector.shape_cast %get3A_191 : vector<16xf32> to vector<16xf32>
        %get3A_193 = arith.index_cast %add3A_189 : i32 to index
        %get3A_194 = tpu.vector_load %arg6[%get3A_193] {strides = array<i32>} : memref<16384xf32, #tpu.memory_space<vmem>>, vector<16xf32>,
        %get3A_195 = vector.shape_cast %get3A_194 : vector<16xf32> to vector<16xf32>
        %add3A_196 = arith.addf %get3A_192, %get3A_195 : vector<16xf32>
        %swap3A_197 = arith.index_cast %add3A_189 : i32 to index
        %swap3A_198 = tpu.vector_load %arg7[%swap3A_197] {strides = array<i32>} : memref<16384xf32, #tpu.memory_space<vmem>>, vector<16xf32>,
        %swap3A_199 = vector.shape_cast %swap3A_198 : vector<16xf32> to vector<16xf32>
        %swap3A_200 = vector.shape_cast %add3A_196 : vector<16xf32> to vector<16xf32>
        tpu.vector_store %arg7[%swap3A_197], %swap3A_200 {strides = array<i32>} : memref<16384xf32, #tpu.memory_space<vmem>>, vector<16xf32>,
      }
      %scan3A_54 = arith.constant 128 : i32
      %mul3A_55 = arith.constant 16384 : i32
      %mul3A_56 = arith.muli %mul3A_41, %mul3A_55 : i32
      %add3A_57 = arith.addi %multiple_of3A, %mul3A_56 : i32
      %multiple_of3A_58 = tpu.assume_multiple %add3A_57, 16384 : i32
      %dma_start3A_59 = tpu.memref_slice %arg4[%multiple_of3A_58] : memref<33554432xf32, #tpu.memory_space<hbm>> -> memref<16384xf32, #tpu.memory_space<hbm>>
      %dma_start3A_60 = tpu.memref_slice %arg4[%multiple_of3A_58] : memref<33554432xf32, #tpu.memory_space<hbm>> -> memref<16384xf32, #tpu.memory_space<hbm>>
      tpu.enqueue_dma source(%arg7 : memref<16384xf32, #tpu.memory_space<vmem>>) target(%dma_start3A_60 : memref<16384xf32, #tpu.memory_space<hbm>>) target_semaphore(%arg13 : memref<!tpu.dma_semaphore, #tpu.memory_space<semaphore_mem>>)
      %dma_wait3A_61 = arith.constant 0 : i32
      %dma_wait3A_62 = tpu.memref_slice %arg2[%dma_wait3A_61] : memref<33554432xf32, #tpu.memory_space<hbm>> -> memref<16384xf32, #tpu.memory_space<hbm>>
      %dma_wait3A_63 = arith.constant 0 : i32
      %dma_wait3A_64 = tpu.memref_slice %arg2[%dma_wait3A_63] : memref<33554432xf32, #tpu.memory_space<hbm>> -> memref<16384xf32, #tpu.memory_space<hbm>>
      tpu.wait_dma2 semaphore(%arg12 : memref<!tpu.dma_semaphore, #tpu.memory_space<semaphore_mem>>) src(%dma_wait3A_64 : memref<16384xf32, #tpu.memory_space<hbm>>) dst(%arg8 : memref<16384xf32, #tpu.memory_space<vmem>>)
      %dma_wait3A_65 = arith.constant 0 : i32
      %dma_wait3A_66 = tpu.memref_slice %arg3[%dma_wait3A_65] : memref<8388608xf32, #tpu.memory_space<hbm>> -> memref<16384xf32, #tpu.memory_space<hbm>>
      %dma_wait3A_67 = arith.constant 0 : i32
      %dma_wait3A_68 = tpu.memref_slice %arg3[%dma_wait3A_67] : memref<8388608xf32, #tpu.memory_space<hbm>> -> memref<16384xf32, #tpu.memory_space<hbm>>
      tpu.wait_dma2 semaphore(%arg12 : memref<!tpu.dma_semaphore, #tpu.memory_space<semaphore_mem>>) src(%dma_wait3A_68 : memref<16384xf32, #tpu.memory_space<hbm>>) dst(%arg9 : memref<16384xf32, #tpu.memory_space<vmem>>)
      %scan3A_69 = arith.constant 0 : i32
      %scan3A_70 = arith.constant 0 : i32
      %scan3A_71 = arith.constant 128 : i32
      %scan3A_72 = arith.addi %scan3A_70, %scan3A_71 : i32
      %scan3A_73 = arith.constant 1 : i32
      scf.for %scan3A_96 = %scan3A_70 to %scan3A_72 step %scan3A_73  : i32 {
        %mul3A_97 = arith.constant 128 : i32
        %mul3A_98 = arith.muli %scan3A_96, %mul3A_97 : i32
        %add3A_99 = arith.constant 0 : i32
        %add3A_100 = arith.addi %mul3A_98, %add3A_99 : i32
        %get3A = arith.index_cast %add3A_100 : i32 to index
        %get3A_101 = tpu.vector_load %arg8[%get3A] {strides = array<i32>} : memref<16384xf32, #tpu.memory_space<vmem>>, vector<16xf32>,
        %get3A_102 = vector.shape_cast %get3A_101 : vector<16xf32> to vector<16xf32>
        %get3A_103 = arith.index_cast %add3A_100 : i32 to index
        %get3A_104 = tpu.vector_load %arg9[%get3A_103] {strides = array<i32>} : memref<16384xf32, #tpu.memory_space<vmem>>, vector<16xf32>,
        %get3A_105 = vector.shape_cast %get3A_104 : vector<16xf32> to vector<16xf32>
        %add3A_106 = arith.addf %get3A_102, %get3A_105 : vector<16xf32>
        %swap3A = arith.index_cast %add3A_100 : i32 to index
        %swap3A_107 = tpu.vector_load %arg10[%swap3A] {strides = array<i32>} : memref<16384xf32, #tpu.memory_space<vmem>>, vector<16xf32>,
        %swap3A_108 = vector.shape_cast %swap3A_107 : vector<16xf32> to vector<16xf32>
        %swap3A_109 = vector.shape_cast %add3A_106 : vector<16xf32> to vector<16xf32>
        tpu.vector_store %arg10[%swap3A], %swap3A_109 {strides = array<i32>} : memref<16384xf32, #tpu.memory_space<vmem>>, vector<16xf32>,
        %add3A_110 = arith.constant 16 : i32
        %add3A_111 = arith.addi %mul3A_98, %add3A_110 : i32
        %get3A_112 = arith.index_cast %add3A_111 : i32 to index
        %get3A_113 = tpu.vector_load %arg8[%get3A_112] {strides = array<i32>} : memref<16384xf32, #tpu.memory_space<vmem>>, vector<16xf32>,
        %get3A_114 = vector.shape_cast %get3A_113 : vector<16xf32> to vector<16xf32>
        %get3A_115 = arith.index_cast %add3A_111 : i32 to index
        %get3A_116 = tpu.vector_load %arg9[%get3A_115] {strides = array<i32>} : memref<16384xf32, #tpu.memory_space<vmem>>, vector<16xf32>,
        %get3A_117 = vector.shape_cast %get3A_116 : vector<16xf32> to vector<16xf32>
        %add3A_118 = arith.addf %get3A_114, %get3A_117 : vector<16xf32>
        %swap3A_119 = arith.index_cast %add3A_111 : i32 to index
        %swap3A_120 = tpu.vector_load %arg10[%swap3A_119] {strides = array<i32>} : memref<16384xf32, #tpu.memory_space<vmem>>, vector<16xf32>,
        %swap3A_121 = vector.shape_cast %swap3A_120 : vector<16xf32> to vector<16xf32>
        %swap3A_122 = vector.shape_cast %add3A_118 : vector<16xf32> to vector<16xf32>
        tpu.vector_store %arg10[%swap3A_119], %swap3A_122 {strides = array<i32>} : memref<16384xf32, #tpu.memory_space<vmem>>, vector<16xf32>,
        %add3A_123 = arith.constant 32 : i32
        %add3A_124 = arith.addi %mul3A_98, %add3A_123 : i32
        %get3A_125 = arith.index_cast %add3A_124 : i32 to index
        %get3A_126 = tpu.vector_load %arg8[%get3A_125] {strides = array<i32>} : memref<16384xf32, #tpu.memory_space<vmem>>, vector<16xf32>,
        %get3A_127 = vector.shape_cast %get3A_126 : vector<16xf32> to vector<16xf32>
        %get3A_128 = arith.index_cast %add3A_124 : i32 to index
        %get3A_129 = tpu.vector_load %arg9[%get3A_128] {strides = array<i32>} : memref<16384xf32, #tpu.memory_space<vmem>>, vector<16xf32>,
        %get3A_130 = vector.shape_cast %get3A_129 : vector<16xf32> to vector<16xf32>
        %add3A_131 = arith.addf %get3A_127, %get3A_130 : vector<16xf32>
        %swap3A_132 = arith.index_cast %add3A_124 : i32 to index
        %swap3A_133 = tpu.vector_load %arg10[%swap3A_132] {strides = array<i32>} : memref<16384xf32, #tpu.memory_space<vmem>>, vector<16xf32>,
        %swap3A_134 = vector.shape_cast %swap3A_133 : vector<16xf32> to vector<16xf32>
        %swap3A_135 = vector.shape_cast %add3A_131 : vector<16xf32> to vector<16xf32>
        tpu.vector_store %arg10[%swap3A_132], %swap3A_135 {strides = array<i32>} : memref<16384xf32, #tpu.memory_space<vmem>>, vector<16xf32>,
        %add3A_136 = arith.constant 48 : i32
        %add3A_137 = arith.addi %mul3A_98, %add3A_136 : i32
        %get3A_138 = arith.index_cast %add3A_137 : i32 to index
        %get3A_139 = tpu.vector_load %arg8[%get3A_138] {strides = array<i32>} : memref<16384xf32, #tpu.memory_space<vmem>>, vector<16xf32>,
        %get3A_140 = vector.shape_cast %get3A_139 : vector<16xf32> to vector<16xf32>
        %get3A_141 = arith.index_cast %add3A_137 : i32 to index
        %get3A_142 = tpu.vector_load %arg9[%get3A_141] {strides = array<i32>} : memref<16384xf32, #tpu.memory_space<vmem>>, vector<16xf32>,
        %get3A_143 = vector.shape_cast %get3A_142 : vector<16xf32> to vector<16xf32>
        %add3A_144 = arith.addf %get3A_140, %get3A_143 : vector<16xf32>
        %swap3A_145 = arith.index_cast %add3A_137 : i32 to index
        %swap3A_146 = tpu.vector_load %arg10[%swap3A_145] {strides = array<i32>} : memref<16384xf32, #tpu.memory_space<vmem>>, vector<16xf32>,
        %swap3A_147 = vector.shape_cast %swap3A_146 : vector<16xf32> to vector<16xf32>
        %swap3A_148 = vector.shape_cast %add3A_144 : vector<16xf32> to vector<16xf32>
        tpu.vector_store %arg10[%swap3A_145], %swap3A_148 {strides = array<i32>} : memref<16384xf32, #tpu.memory_space<vmem>>, vector<16xf32>,
        %add3A_149 = arith.constant 64 : i32
        %add3A_150 = arith.addi %mul3A_98, %add3A_149 : i32
        %get3A_151 = arith.index_cast %add3A_150 : i32 to index
        %get3A_152 = tpu.vector_load %arg8[%get3A_151] {strides = array<i32>} : memref<16384xf32, #tpu.memory_space<vmem>>, vector<16xf32>,
        %get3A_153 = vector.shape_cast %get3A_152 : vector<16xf32> to vector<16xf32>
        %get3A_154 = arith.index_cast %add3A_150 : i32 to index
        %get3A_155 = tpu.vector_load %arg9[%get3A_154] {strides = array<i32>} : memref<16384xf32, #tpu.memory_space<vmem>>, vector<16xf32>,
        %get3A_156 = vector.shape_cast %get3A_155 : vector<16xf32> to vector<16xf32>
        %add3A_157 = arith.addf %get3A_153, %get3A_156 : vector<16xf32>
        %swap3A_158 = arith.index_cast %add3A_150 : i32 to index
        %swap3A_159 = tpu.vector_load %arg10[%swap3A_158] {strides = array<i32>} : memref<16384xf32, #tpu.memory_space<vmem>>, vector<16xf32>,
        %swap3A_160 = vector.shape_cast %swap3A_159 : vector<16xf32> to vector<16xf32>
        %swap3A_161 = vector.shape_cast %add3A_157 : vector<16xf32> to vector<16xf32>
        tpu.vector_store %arg10[%swap3A_158], %swap3A_161 {strides = array<i32>} : memref<16384xf32, #tpu.memory_space<vmem>>, vector<16xf32>,
        %add3A_162 = arith.constant 80 : i32
        %add3A_163 = arith.addi %mul3A_98, %add3A_162 : i32
        %get3A_164 = arith.index_cast %add3A_163 : i32 to index
        %get3A_165 = tpu.vector_load %arg8[%get3A_164] {strides = array<i32>} : memref<16384xf32, #tpu.memory_space<vmem>>, vector<16xf32>,
        %get3A_166 = vector.shape_cast %get3A_165 : vector<16xf32> to vector<16xf32>
        %get3A_167 = arith.index_cast %add3A_163 : i32 to index
        %get3A_168 = tpu.vector_load %arg9[%get3A_167] {strides = array<i32>} : memref<16384xf32, #tpu.memory_space<vmem>>, vector<16xf32>,
        %get3A_169 = vector.shape_cast %get3A_168 : vector<16xf32> to vector<16xf32>
        %add3A_170 = arith.addf %get3A_166, %get3A_169 : vector<16xf32>
        %swap3A_171 = arith.index_cast %add3A_163 : i32 to index
        %swap3A_172 = tpu.vector_load %arg10[%swap3A_171] {strides = array<i32>} : memref<16384xf32, #tpu.memory_space<vmem>>, vector<16xf32>,
        %swap3A_173 = vector.shape_cast %swap3A_172 : vector<16xf32> to vector<16xf32>
        %swap3A_174 = vector.shape_cast %add3A_170 : vector<16xf32> to vector<16xf32>
        tpu.vector_store %arg10[%swap3A_171], %swap3A_174 {strides = array<i32>} : memref<16384xf32, #tpu.memory_space<vmem>>, vector<16xf32>,
        %add3A_175 = arith.constant 96 : i32
        %add3A_176 = arith.addi %mul3A_98, %add3A_175 : i32
        %get3A_177 = arith.index_cast %add3A_176 : i32 to index
        %get3A_178 = tpu.vector_load %arg8[%get3A_177] {strides = array<i32>} : memref<16384xf32, #tpu.memory_space<vmem>>, vector<16xf32>,
        %get3A_179 = vector.shape_cast %get3A_178 : vector<16xf32> to vector<16xf32>
        %get3A_180 = arith.index_cast %add3A_176 : i32 to index
        %get3A_181 = tpu.vector_load %arg9[%get3A_180] {strides = array<i32>} : memref<16384xf32, #tpu.memory_space<vmem>>, vector<16xf32>,
        %get3A_182 = vector.shape_cast %get3A_181 : vector<16xf32> to vector<16xf32>
        %add3A_183 = arith.addf %get3A_179, %get3A_182 : vector<16xf32>
        %swap3A_184 = arith.index_cast %add3A_176 : i32 to index
        %swap3A_185 = tpu.vector_load %arg10[%swap3A_184] {strides = array<i32>} : memref<16384xf32, #tpu.memory_space<vmem>>, vector<16xf32>,
        %swap3A_186 = vector.shape_cast %swap3A_185 : vector<16xf32> to vector<16xf32>
        %swap3A_187 = vector.shape_cast %add3A_183 : vector<16xf32> to vector<16xf32>
        tpu.vector_store %arg10[%swap3A_184], %swap3A_187 {strides = array<i32>} : memref<16384xf32, #tpu.memory_space<vmem>>, vector<16xf32>,
        %add3A_188 = arith.constant 112 : i32
        %add3A_189 = arith.addi %mul3A_98, %add3A_188 : i32
        %get3A_190 = arith.index_cast %add3A_189 : i32 to index
        %get3A_191 = tpu.vector_load %arg8[%get3A_190] {strides = array<i32>} : memref<16384xf32, #tpu.memory_space<vmem>>, vector<16xf32>,
        %get3A_192 = vector.shape_cast %get3A_191 : vector<16xf32> to vector<16xf32>
        %get3A_193 = arith.index_cast %add3A_189 : i32 to index
        %get3A_194 = tpu.vector_load %arg9[%get3A_193] {strides = array<i32>} : memref<16384xf32, #tpu.memory_space<vmem>>, vector<16xf32>,
        %get3A_195 = vector.shape_cast %get3A_194 : vector<16xf32> to vector<16xf32>
        %add3A_196 = arith.addf %get3A_192, %get3A_195 : vector<16xf32>
        %swap3A_197 = arith.index_cast %add3A_189 : i32 to index
        %swap3A_198 = tpu.vector_load %arg10[%swap3A_197] {strides = array<i32>} : memref<16384xf32, #tpu.memory_space<vmem>>, vector<16xf32>,
        %swap3A_199 = vector.shape_cast %swap3A_198 : vector<16xf32> to vector<16xf32>
        %swap3A_200 = vector.shape_cast %add3A_196 : vector<16xf32> to vector<16xf32>
        tpu.vector_store %arg10[%swap3A_197], %swap3A_200 {strides = array<i32>} : memref<16384xf32, #tpu.memory_space<vmem>>, vector<16xf32>,
      }
      %scan3A_74 = arith.constant 128 : i32
      %add3A_75 = arith.constant 1 : i32
      %add3A_76 = arith.addi %mul3A_41, %add3A_75 : i32
      %mul3A_77 = arith.constant 16384 : i32
      %mul3A_78 = arith.muli %add3A_76, %mul3A_77 : i32
      %add3A_79 = arith.addi %multiple_of3A, %mul3A_78 : i32
      %multiple_of3A_80 = tpu.assume_multiple %add3A_79, 16384 : i32
      %dma_start3A_81 = tpu.memref_slice %arg4[%multiple_of3A_80] : memref<33554432xf32, #tpu.memory_space<hbm>> -> memref<16384xf32, #tpu.memory_space<hbm>>
      %dma_start3A_82 = tpu.memref_slice %arg4[%multiple_of3A_80] : memref<33554432xf32, #tpu.memory_space<hbm>> -> memref<16384xf32, #tpu.memory_space<hbm>>
      tpu.enqueue_dma source(%arg10 : memref<16384xf32, #tpu.memory_space<vmem>>) target(%dma_start3A_82 : memref<16384xf32, #tpu.memory_space<hbm>>) target_semaphore(%arg14 : memref<!tpu.dma_semaphore, #tpu.memory_space<semaphore_mem>>)
      %add3A_83 = arith.constant 1 : i32
      %add3A_84 = arith.addi %scan3A_39, %add3A_83 : i32
      %lt3A_85 = arith.constant 32 : i32
      %lt3A_86 = arith.cmpi slt, %add3A_84, %lt3A_85 : i32
      %convert_element_type3A = arith.extui %lt3A_86 : i1 to i32
      %cond3A = arith.constant 0 : i32
      %cond3A_87 = arith.cmpi ne, %convert_element_type3A, %cond3A : i32
      scf.if %cond3A_87 {
        %add3A_96 = arith.constant 2 : i32
        %add3A_97 = arith.addi %mul3A_41, %add3A_96 : i32
        %mul3A_98 = arith.constant 16384 : i32
        %mul3A_99 = arith.muli %add3A_97, %mul3A_98 : i32
        %add3A_100 = arith.addi %multiple_of3A, %mul3A_99 : i32
        %multiple_of3A_101 = tpu.assume_multiple %add3A_100, 16384 : i32
        %mul3A_102 = arith.constant 16384 : i32
        %mul3A_103 = arith.muli %add3A_97, %mul3A_102 : i32
        %add3A_104 = arith.addi %multiple_of3A_14, %mul3A_103 : i32
        %multiple_of3A_105 = tpu.assume_multiple %add3A_104, 16384 : i32
        %dma_start3A_106 = tpu.memref_slice %arg2[%multiple_of3A_101] : memref<33554432xf32, #tpu.memory_space<hbm>> -> memref<16384xf32, #tpu.memory_space<hbm>>
        %dma_start3A_107 = tpu.memref_slice %arg2[%multiple_of3A_101] : memref<33554432xf32, #tpu.memory_space<hbm>> -> memref<16384xf32, #tpu.memory_space<hbm>>
        tpu.enqueue_dma source(%dma_start3A_107 : memref<16384xf32, #tpu.memory_space<hbm>>) target(%arg5 : memref<16384xf32, #tpu.memory_space<vmem>>) target_semaphore(%arg11 : memref<!tpu.dma_semaphore, #tpu.memory_space<semaphore_mem>>)
        %dma_start3A_108 = tpu.memref_slice %arg3[%multiple_of3A_105] : memref<8388608xf32, #tpu.memory_space<hbm>> -> memref<16384xf32, #tpu.memory_space<hbm>>
        %dma_start3A_109 = tpu.memref_slice %arg3[%multiple_of3A_105] : memref<8388608xf32, #tpu.memory_space<hbm>> -> memref<16384xf32, #tpu.memory_space<hbm>>
        tpu.enqueue_dma source(%dma_start3A_109 : memref<16384xf32, #tpu.memory_space<hbm>>) target(%arg6 : memref<16384xf32, #tpu.memory_space<vmem>>) target_semaphore(%arg11 : memref<!tpu.dma_semaphore, #tpu.memory_space<semaphore_mem>>)
        %add3A_110 = arith.constant 3 : i32
        %add3A_111 = arith.addi %mul3A_41, %add3A_110 : i32
        %mul3A_112 = arith.constant 16384 : i32
        %mul3A_113 = arith.muli %add3A_111, %mul3A_112 : i32
        %add3A_114 = arith.addi %multiple_of3A, %mul3A_113 : i32
        %multiple_of3A_115 = tpu.assume_multiple %add3A_114, 16384 : i32
        %mul3A_116 = arith.constant 16384 : i32
        %mul3A_117 = arith.muli %add3A_111, %mul3A_116 : i32
        %add3A_118 = arith.addi %multiple_of3A_14, %mul3A_117 : i32
        %multiple_of3A_119 = tpu.assume_multiple %add3A_118, 16384 : i32
        %dma_start3A_120 = tpu.memref_slice %arg2[%multiple_of3A_115] : memref<33554432xf32, #tpu.memory_space<hbm>> -> memref<16384xf32, #tpu.memory_space<hbm>>
        %dma_start3A_121 = tpu.memref_slice %arg2[%multiple_of3A_115] : memref<33554432xf32, #tpu.memory_space<hbm>> -> memref<16384xf32, #tpu.memory_space<hbm>>
        tpu.enqueue_dma source(%dma_start3A_121 : memref<16384xf32, #tpu.memory_space<hbm>>) target(%arg8 : memref<16384xf32, #tpu.memory_space<vmem>>) target_semaphore(%arg12 : memref<!tpu.dma_semaphore, #tpu.memory_space<semaphore_mem>>)
        %dma_start3A_122 = tpu.memref_slice %arg3[%multiple_of3A_119] : memref<8388608xf32, #tpu.memory_space<hbm>> -> memref<16384xf32, #tpu.memory_space<hbm>>
        %dma_start3A_123 = tpu.memref_slice %arg3[%multiple_of3A_119] : memref<8388608xf32, #tpu.memory_space<hbm>> -> memref<16384xf32, #tpu.memory_space<hbm>>
        tpu.enqueue_dma source(%dma_start3A_123 : memref<16384xf32, #tpu.memory_space<hbm>>) target(%arg9 : memref<16384xf32, #tpu.memory_space<vmem>>) target_semaphore(%arg12 : memref<!tpu.dma_semaphore, #tpu.memory_space<semaphore_mem>>)
      } else {
      }
      %dma_wait3A_88 = arith.constant 0 : i32
      %dma_wait3A_89 = tpu.memref_slice %arg4[%dma_wait3A_88] : memref<33554432xf32, #tpu.memory_space<hbm>> -> memref<16384xf32, #tpu.memory_space<hbm>>
      %dma_wait3A_90 = arith.constant 0 : i32
      %dma_wait3A_91 = tpu.memref_slice %arg4[%dma_wait3A_90] : memref<33554432xf32, #tpu.memory_space<hbm>> -> memref<16384xf32, #tpu.memory_space<hbm>>
      tpu.wait_dma2 semaphore(%arg13 : memref<!tpu.dma_semaphore, #tpu.memory_space<semaphore_mem>>) src(%arg7 : memref<16384xf32, #tpu.memory_space<vmem>>) dst(%dma_wait3A_91 : memref<16384xf32, #tpu.memory_space<hbm>>)
      %dma_wait3A_92 = arith.constant 0 : i32
      %dma_wait3A_93 = tpu.memref_slice %arg4[%dma_wait3A_92] : memref<33554432xf32, #tpu.memory_space<hbm>> -> memref<16384xf32, #tpu.memory_space<hbm>>
      %dma_wait3A_94 = arith.constant 0 : i32
      %dma_wait3A_95 = tpu.memref_slice %arg4[%dma_wait3A_94] : memref<33554432xf32, #tpu.memory_space<hbm>> -> memref<16384xf32, #tpu.memory_space<hbm>>
      tpu.wait_dma2 semaphore(%arg14 : memref<!tpu.dma_semaphore, #tpu.memory_space<semaphore_mem>>) src(%arg10 : memref<16384xf32, #tpu.memory_space<vmem>>) dst(%dma_wait3A_95 : memref<16384xf32, #tpu.memory_space<hbm>>)
    }
    %scan3A_38 = arith.constant 32 : i32
    return
  }
}

</mosaic_0001>

<sc_bundles>
// kernel: kernel.3.cloned.1.call-start
scs
__scs_entry_jumppad:
0x0: {  	(pc) =	sbr.rel $0x88, $3  }
0x1: {  	(tag) =	ssettag $0x0;
	lr =	simm.s32 $0x1  }
0x2: {  	[smem:$0x3F9F] =	sst lr;
	_ =	strace $0xD0000000  }
0x3: {  	_ = 	snop  }
0x4: {  	_ = 	snop  }
0x5: {  	_ = 	snop  }
0x6: {  	_ = 	snop  }
0x7: {  	_ = 	snop  }
__scs_overlays_trampoline_lowered:
0x8: {  	[smem:$0x3FAE] =	sst s0  }
0x9: {  	[smem:$0x3FAF] =	sst s1  }
0xa: {  	[smem:$0x3FB0] =	sst s2  }
0xb: {  	[smem:$0x3FB1] =	sst s3  }
0xc: {  	[smem:$0x3FB2] =	sst s4  }
0xd: {  	[smem:$0x3FB3] =	sst s5  }
0xe: {  	[smem:$0x3FB4] =	sst s6  }
0xf: {  	[smem:$0x3FB5] =	sst s7  }
0x10: {  	[smem:$0x3FB6] =	sst s8  }
0x11: {  	[smem:$0x3FB7] =	sst s9;
	s0 =	simm.s32 @!p0 $0x0  }
0x12: {  	s1 =	sld [smem:$0x3F9D];
	s0 =	simm.s32 @p0 $0x1  }
0x13: {  	[smem:$0x3FB8] =	sst s0;
	s0 =	simm.s32 @!p1 $0x0  }
0x14: {  	s2 =	sld [smem:$0x3F9C];
	s0 =	simm.s32 @p1 $0x1  }
0x15: {  	[smem:$0x3FB9] =	sst s0;
	s0 =	simm.s32 @!p2 $0x0  }
0x16: {  	s3 =	sld [smem:$0x3FDB];
	s0 =	simm.s32 @p2 $0x1  }
0x17: {  	s4 =	simm.s32 $0x1BF5;
	[smem:$0x3FBB] =	sst s0  }
0x18: {  	s0 =	sld [smem:$0x3F9E];
	_ =	swait.ge [sflag:s4], $0x0  }
0x19: {  	s7 =	sld [smem:$0x3F9F]  }
0x1a: {  	s8 =	sadd.s32 $0xFFFFE003, lr  }
0x1b: {  	s9 =	sadd.s32 $0xFFFFFEF7, lr;
	s5 =	simm.s32 $0xFFFFFFFF;
	p2 =	slt.u32 s8, $0xFFFFF086  }
0x1c: {  	p1 =	slt.u32 s9, $0xF7A;
	s5 =	simm.s32 @!p2 $0x0  }
0x1d: {  	s5 =	simm.s32 @p1 $0x1;
	p0 =	seq.s32 s7, s2  }
0x1e: {  	s7 =	smul.u32 @!p0 $0xF7A, s2;
	p2 =	seq.s32 @!p0 s5, $0x0  }
0x1f: {  	s9 =	smul.u32 $0xF7A, s1;
	s8 =	simm.s32 @!p0 $0x1BF5;
	p2 =	por !p2, p0  }
0x20: {  	[sflag:s8] =	ssyncset.s32 @!p0 $0xFFFFF086;
	s6 =	sadd.s32 @!p0 s3, s7;
	s7 =	simm.s32 @!p0 $0x108  }
0x21: {  	s3 =	sadd.s32 s3, s9;
	s6 =	sadd.s32 @!p0 $0x88, s6;
	s7 =	simm.s32 @p2 $0x1082  }
0x22: {  	[simem:s7], [sflag:s8] =	dma.local @!p0 [hbm:s6], $0xF7A  }
0x23: {  	s9 =	sor.u32 $0xD0000000, s2;
	s6 =	simm.s32 $0x108;
	_ =	swait.ge @!p0 [sflag:s8], $0x0  }
0x24: {  	s3 =	sadd.s32 $0x88, s3;
	s6 =	simm.s32 @!p1 $0x1082;
	[sflag:s4] =	ssyncset.s32 $0xFFFFF086  }
0x25: {  	[simem:s6], [sflag:s4] =	dma.local [hbm:s3], $0xF7A  }
0x26: {  	[smem:$0x3F9F] =	sst s1;
	(tag) =	ssettag s2;
	_ =	strace s9  }
0x27: {  	s1 =	sld [smem:$0x3FAF]  }
0x28: {  	s2 =	sld [smem:$0x3FB0]  }
0x29: {  	s4 =	sld [smem:$0x3FB2]  }
0x2a: {  	p0 =	seq.s32 s5, $0x0;
	s5 =	sld [smem:$0x3FB3]  }
0x2b: {  	s6 =	sld [smem:$0x3FB4]  }
0x2c: {  	s7 =	sld [smem:$0x3FB5]  }
0x2d: {  	s3 =	simm.s32 $0x108;
	s8 =	sld [smem:$0x3FB6]  }
0x2e: {  	s3 =	simm.s32 @!p0 $0x1082;
	s9 =	sld [smem:$0x3FB7]  }
0x2f: {  	lr =	sadd.s32 s0, s3;
	s0 =	sld [smem:$0x3FAE]  }
0x30: {  	s3 =	sld [smem:$0x3FB1]  }
0x31: {  	[smem:$0x3FBA] =	sst s10  }
0x32: {  	s10 =	sld [smem:$0x3FB8];
	_ =	sdelay $0x3  }
0x33: {  	p0 =	seq.s32 s10, $0x1;
	s10 =	sld [smem:$0x3FBA];
	_ =	sdelay $0x3  }
0x34: {  	[smem:$0x3FBA] =	sst s10  }
0x35: {  	s10 =	sld [smem:$0x3FB9];
	_ =	sdelay $0x3  }
0x36: {  	p1 =	seq.s32 s10, $0x1;
	s10 =	sld [smem:$0x3FBA];
	_ =	sdelay $0x3  }
0x37: {  	[smem:$0x3FBA] =	sst s10  }
0x38: {  	s10 =	sld [smem:$0x3FBB]  }
0x39: {  	_ = 	snop;
	(pc) =	sbr.ind lr, $3  }
0x3a: {  	_ = 	snop  }
0x3b: {  	_ = 	snop  }
0x3c: {  	p2 =	seq.s32 s10, $0x1;
	s10 =	sld [smem:$0x3FBA]  }
0x3d: {  	_ =	shalt  }
0x3e: {  	_ =	shalt  }
0x3f: {  	_ =	shalt  }
0x40: {  	_ =	shalt  }
0x41: {  	_ =	shalt  }
0x42: {  	_ =	shalt  }
0x43: {  	_ =	shalt  }
0x44: {  	_ =	shalt  }
0x45: {  	_ =	shalt  }
0x46: {  	_ =	shalt  }
0x47: {  	_ =	shalt  }
0x48: {  	_ =	shalt  }
0x49: {  	_ =	shalt  }
0x4a: {  	_ =	shalt  }
0x4b: {  	_ =	shalt  }
0x4c: {  	_ =	shalt  }
0x4d: {  	_ =	shalt  }
0x4e: {  	_ =	shalt  }
0x4f: {  	_ =	shalt  }
0x50: {  	_ =	shalt  }
0x51: {  	_ =	shalt  }
0x52: {  	_ =	shalt  }
0x53: {  	_ =	shalt  }
0x54: {  	_ =	shalt  }
0x55: {  	_ =	shalt  }
0x56: {  	_ =	shalt  }
0x57: {  	_ =	shalt  }
0x58: {  	_ =	shalt  }
0x59: {  	_ =	shalt  }
0x5a: {  	_ =	shalt  }
0x5b: {  	_ =	shalt  }
0x5c: {  	_ =	shalt  }
0x5d: {  	_ =	shalt  }
0x5e: {  	_ =	shalt  }
0x5f: {  	_ =	shalt  }
0x60: {  	_ =	shalt  }
0x61: {  	_ =	shalt  }
0x62: {  	_ =	shalt  }
0x63: {  	_ =	shalt  }
0x64: {  	_ =	shalt  }
0x65: {  	_ =	shalt  }
0x66: {  	_ =	shalt  }
0x67: {  	_ =	shalt  }
0x68: {  	_ =	shalt  }
0x69: {  	_ =	shalt  }
0x6a: {  	_ =	shalt  }
0x6b: {  	_ =	shalt  }
0x6c: {  	_ =	shalt  }
0x6d: {  	_ =	shalt  }
0x6e: {  	_ =	shalt  }
0x6f: {  	_ =	shalt  }
0x70: {  	_ =	shalt  }
0x71: {  	_ =	shalt  }
0x72: {  	_ =	shalt  }
0x73: {  	_ =	shalt  }
0x74: {  	_ =	shalt  }
0x75: {  	_ =	shalt  }
0x76: {  	_ =	shalt  }
0x77: {  	_ =	shalt  }
0x78: {  	_ =	shalt  }
0x79: {  	_ =	shalt  }
0x7a: {  	_ =	shalt  }
0x7b: {  	_ =	shalt  }
0x7c: {  	_ =	shalt  }
0x7d: {  	_ =	shalt  }
0x7e: {  	_ =	shalt  }
0x7f: {  	_ =	shalt  }
0x80: {  	_ =	shalt  }
0x81: {  	_ =	shalt  }
0x82: {  	_ =	shalt  }
0x83: {  	_ =	shalt  }
0x84: {  	_ =	shalt  }
0x85: {  	_ =	shalt  }
0x86: {  	_ =	shalt  }
0x87: {  	_ =	shalt  }
.Lfunc_end0:
.L_simem_size_0:
called_computation.2_lowered:
.L_overlay_start_0:
0x88: {  	s2 =	sld [smem:$0x3FD9]  }
0x89: {  	s3 =	sld [smem:$0x3FFE];
	_ =	sdelay $0x1  }
0x8a: {  	s1 =	srdreg.scid  }
0x8b: {  	s0 =	sand.u32 $0x1, s1  }
0x8c: {  	s17 =	sshll.u32 s0, $0xA;
	s2 =	sadd.s32 s3, s2  }
0x8d: {  	s2 =	sadd.s32 s2, s17  }
0x8e: {  	[smem:$0x3FC6] =	sst s2  }
0x8f: {  	_ = 	snop  }
0x90: {  	s2 =	sld [smem:$0x3FD0];
	(tm) =	ssettm $0x1  }
0x91: {  	s18 =	sld [smem:$0x3FFB];
	_ =	sdelay $0x3  }
0x92: {  	_ =	strace s18  }
0x93: {  	s3 =	sld [smem:$0x3FFC];
	_ =	sdelay $0x3  }
0x94: {  	_ =	strace s3  }
0x95: {  	s3 =	sld [smem:$0x3FFD];
	_ =	sdelay $0x3  }
0x96: {  	_ =	strace s3  }
0x97: {  	_ =	strace $0x8FFFFFFF  }
0x98: {  	s19 =	sld [smem:$0x3FDB];
	_ =	sdelay $0x1  }
0x99: {  	s4 =	simm.s32 $_scs_section_size  }
0x9a: {  	s5 =	simm.s32 $_size__tile_overlayer_lowered;
	s6 =	simm.s32 $_tile_overlayer_lowered  }
0x9b: {  	s22 =	simm.s32 $0x1BFF;
	s21 =	sshll.u32 s6, $0x1;
	s3 =	sadd.s32 s4, s19  }
0x9c: {  	s7 =	simm.s32 $0x0;
	s20 =	sshll.u32 s5, $0x1;
	s5 =	sadd.s32 s21, s3  }
0x9d: {  	[timem:s7], [sflag:s22] =	dma.local [hbm:s5], s20  }
0x9e: {  	_ =	swait.ge [sflag:s22], s20  }
0x9f: {  	s4 =	ssub.s32 $0x0, s20;
	[sflag:s22] =	ssyncset.done $0x0  }
0xa0: {  	[sflag:s22] =	ssyncadd.s32 s4;
	_ =	sdelay $0x1  }
0xa1: {  	s23 =	simm.s32 $0x1B8B  }
0xa2: {  	_ =	swait.ge [sflag:s23], $0x1  }
0xa3: {  	[sflag:s23] =	ssyncset.done $0x0  }
0xa4: {  	s25 =	simm.s32 $0x1B8E;
	s24 =	sld [smem:$0x3FFE];
	[sflag:s23] =	ssyncadd.s32 $0xFFFFFFFF  }
0xa5: {  	s26 =	simm.s32 $execute0_lowered;
	[smem:$0x3FD2] =	sst s25  }
0xa6: {  	s5 =	sshll.u32 s26, $0x1;
	_ =	strace $0x8000004C;
	[dreg:$0x1] =	wrdreg $0xFFFFFFFF  }
0xa7: {  	s28 =	simm.s32 $_size_execute0_lowered;
	s3 =	sadd.s32 s3, s5;
	[dreg:$0x0] =	wrdreg $0x0  }
0xa8: {  	s5 =	sshll.u32 s28, $0x1;
	[dreg:$0x2] =	wrdreg s3  }
0xa9: {  	[dreg:$0x3] =	wrdreg s5  }
0xaa: {  	[dreg:$0x4] =	wrdreg $0xC0  }
0xab: {  	_ =	task [dreg:s7], $0x5FFFF  }
0xac: {  	[dreg:$0x1] =	wrdreg $0xFFFFFFFF  }
0xad: {  	[dreg:$0x0] =	wrdreg $0x60  }
0xae: {  	[dreg:$0x2] =	wrdreg s2  }
0xaf: {  	[dreg:$0x3] =	wrdreg s24  }
0xb0: {  	[dreg:$0x4] =	wrdreg $0x9  }
0xb1: {  	_ =	task.clear_ibuf [dreg:s7], $0x5FFFF;
	_ =	strace $0x9000004C  }
0xb2: {  	s29 =	simm.s32 $0x9;
	_ =	strace $0x8000004E  }
0xb3: {  	_ =	swait.ge [sflag:s29], $0x1  }
0xb4: {  	[sflag:s29] =	ssyncadd.s32 $0xFFFFFFFF  }
0xb5: {  	_ =	strace $0x9000004E  }
0xb6: {  	_ =	sfence  }
0xb7: {  	s30 =	sld [smem:$0x0];
	_ =	sdelay $0x2  }
0xb8: {  	s31 =	sshll.u32 s1, $0xD;
	s1 =	sshrl.u32 s1, $0x2  }
0xb9: {  	s3 =	sand.u32 $0x4000, s31;
	s1 =	sadd.s32 s1, s30  }
0xba: {  	s0 =	sor.u32 s3, s0;
	s1 =	sshll.u32 s1, $0x11  }
0xbb: {  	s0 =	sor.u32 s1, s0  }
0xbc: {  	s0 =	sadd.s32 $0x8F2B, s0  }
0xbd: {  	[sflag:s0] =	ssyncadd.remote.s32 $0x1  }
0xbe: {  	_ =	sfence.sel $0xFFFF  }
0xbf: {  	[dreg:$0x0] =	wrdreg $0xFFFFFFFF;
	(pc) =	sbr.abs _section_cstart, $3  }
0xc0: {  	[dreg:$0x1] =	wrdreg $0xFFFFFFFF  }
0xc1: {  	_ =	task.clear_ibuf [dreg:s7], $0x2FFFF;
	_ =	strace $0x9FFFFFFF  }
0xc2: {  	(tm) =	ssettm $0x7FFFFFFF  }
0xc3: {  	_ =	shalt  }
tec
execute0_lowered:
.L_overlay_start_1:
0x0: {  	(tag) =	ssettag $0x1  }
0x1: {  	s1 =	rddreg [dreg:$0x0]  }
0x2: {  	s5 =	rddreg [dreg:$0x1]  }
0x3: {  	s0 =	rddreg [dreg:$0x2];
	s3 =	simm.s32 $0x0;
	s4 =	srdreg.scid  }
0x4: {  	s2 =	stileid.u32;
	s13 =	simm.s32 $0x4000;
	s14 =	simm.s32 $0xC000  }
0x5: {  	s15 =	simm.s32 $0x10000;
	s16 =	simm.s32 $0x1;
	s17 =	simm.s32 $0x8000  }
0x6: {  	s18 =	simm.s32 $0x2;
	s19 =	simm.s32 $0x14000;
	s20 =	simm.s32 $0x3  }
0x7: {  	s21 =	simm.s32 $0x4;
	s22 =	simm.s32 $0x0;
	s7 =	sand.u32 $0x1, s4  }
0x8: {  	[smem:$0x7FF] =	sst s3;
	s6 =	sshll.u32 s2, $0x15;
	s8 =	sshll.u32 s7, $0x14  }
0x9: {  	s4 =	sadd.s32 $0xC00, s5;
	s5 =	sadd.s32 $0x100C00, s5;
	s6 =	sor.u32 s8, s6  }
0xa: {  	_ =	strace $0x8000004D;
	s9 =	ssub.s32 $0x2, s7;
	s7 =	sand.u32 $0x700000, s6  }
0xb: {  	s10 =	sshrl.u32 s9, $0x1;
	s8 =	sshrl.u32 s6, $0x3;
	s11 =	sshrl.u32 s7, $0x3  }
0xc: {  	s12 =	ssub.s32 s9, s10;
	s8 =	sadd.s32 s1, s8;
	s9 =	sadd.s32 s4, s11  }
0xd: {  	s12 =	smax.u32 s12, $0x1;
	s10 =	sadd.s32 $0x800, s8;
	s11 =	sadd.s32 $0x800, s9  }
.LBB2_1:
0xe: {  	[tilespmem:s3], [sflag:$0x1] =	stream.linear.gather [hbm4b:s8+s3], $0x4000, $0x38;
	[tilespmem:$0x18000] =	vst v63  }
0xf: {  	_ = 	snop  }
0x10: {  	[tilespmem:s13], [sflag:$0x1] =	stream.linear.gather [hbm4b:s9+s3], $0x4000, $0x38;
	[tilespmem:$0x18000] =	vst v63  }
0x11: {  	_ = 	snop  }
0x12: {  	[tilespmem:s14], [sflag:$0x2] =	stream.linear.gather [hbm4b:s10+s3], $0x4000, $0x38;
	[tilespmem:$0x18000] =	vst v63  }
0x13: {  	s23 =	simm.s32 $0x0  }
0x14: {  	[tilespmem:s15], [sflag:$0x2] =	stream.linear.gather [hbm4b:s11+s3], $0x4000, $0x38;
	[tilespmem:$0x18000] =	vst v63  }
.LBB2_2:
0x15: {  	_ =	swait.ge [sflag:s16], $0x4000  }
0x16: {  	[sflag:s16] =	ssyncset.done $0x0  }
0x17: {  	[sflag:s16] =	ssyncadd.s32 $0xFFFFC000  }
0x18: {  	_ =	swait.ge [sflag:s16], $0x4000  }
0x19: {  	[sflag:s16] =	ssyncset.done $0x0  }
0x1a: {  	s24 =	simm.s32 $0x0;
	[sflag:s16] =	ssyncadd.s32 $0xFFFFC000  }
0x1b: {  	v0 =	vld [tilespmem:s24+$0x70]  }
0x1c: {  	v1 =	vld [tilespmem:s24+$0x4070]  }
0x1d: {  	v2 =	vld [tilespmem:s24+$0x0]  }
0x1e: {  	v3 =	vld [tilespmem:s24+$0x4000]  }
0x1f: {  	v4 =	vld [tilespmem:s24+$0x10]  }
0x20: {  	v5 =	vld [tilespmem:s24+$0x4010]  }
0x21: {  	v6 =	vld [tilespmem:s24+$0x20]  }
0x22: {  	v7 =	vld [tilespmem:s24+$0x30]  }
0x23: {  	v0 =	vadd.f32 v1, v0;
	v1 =	vld [tilespmem:s24+$0x4020]  }
0x24: {  	v8 =	vld [tilespmem:s24+$0x4030]  }
0x25: {  	v9 =	vld [tilespmem:s24+$0x4040];
	v2 =	vadd.f32 v3, v2  }
0x26: {  	[tilespmem:s24+$0x8070] =	vst v0;
	v0 =	vadd.f32 v5, v4;
	v5 =	vld [tilespmem:s24+$0x40]  }
0x27: {  	v3 =	vld [tilespmem:s24+$0x4050];
	[tilespmem:s24+$0x8000] =	vst v2  }
0x28: {  	v2 =	vld [tilespmem:s24+$0x50];
	[tilespmem:s24+$0x8010] =	vst v0;
	v0 =	vadd.f32 v1, v6  }
0x29: {  	v4 =	vld [tilespmem:s24+$0x4060];
	v6 =	vadd.f32 v8, v7  }
0x2a: {  	s26 =	simm.s32 $0x80;
	[tilespmem:s24+$0x8020] =	vst v0;
	v0 =	vld [tilespmem:s24+$0x60]  }
0x2b: {  	s25 =	simm.s32 $0x400;
	v5 =	vadd.f32 v9, v5;
	v1 =	vld [tilespmem:s26+$0x70];
	[tilespmem:s24+$0x8030] =	vst v6  }
.LBB2_3:
0x2c: {  	p0 =	sne.s32 s25, $0xFE00;
	v6 =	vld [tilespmem:s26+$0x4070]  }
0x2d: {  	v7 =	vld [tilespmem:s26+$0x0];
	[tilespmem:s24+$0x8040] =	vst v5;
	v2 =	vadd.f32 v3, v2  }
0x2e: {  	v3 =	vld [tilespmem:s26+$0x4000]  }
0x2f: {  	v5 =	vld [tilespmem:s26+$0x10];
	[tilespmem:s24+$0x8050] =	vst v2;
	v0 =	vadd.f32 v4, v0  }
0x30: {  	v2 =	vld [tilespmem:s26+$0x4010]  }
0x31: {  	v4 =	vld [tilespmem:s26+$0x20];
	v1 =	vadd.f32 v6, v1;
	[tilespmem:s24+$0x8060] =	vst v0;
	s24 =	smov.u32 s26  }
0x32: {  	v0 =	vld [tilespmem:s24+$0x4020]  }
0x33: {  	v3 =	vadd.f32 v3, v7;
	v6 =	vld [tilespmem:s24+$0x30];
	[tilespmem:s24+$0x8070] =	vst v1  }
0x34: {  	v1 =	vld [tilespmem:s24+$0x4030]  }
0x35: {  	[tilespmem:s24+$0x8000] =	vst v3;
	v2 =	vadd.f32 v2, v5;
	v5 =	vld [tilespmem:s24+$0x40]  }
0x36: {  	v7 =	vld [tilespmem:s24+$0x4040]  }
.Ltmp0:
0x37: {  	[tilespmem:s24+$0x8010] =	vst v2;
	v0 =	vadd.f32 v0, v4;
	v2 =	vld [tilespmem:s24+$0x50];
	(pc) =	sbr.rel @p0 .LBB2_3-.Ltmp0, $4  }
0x38: {  	v3 =	vld [tilespmem:s24+$0x4050]  }
0x39: {  	[tilespmem:s24+$0x8020] =	vst v0;
	v6 =	vadd.f32 v1, v6;
	v0 =	vld [tilespmem:s24+$0x60]  }
0x3a: {  	s26 =	sshra.s32 s25, $0x2;
	v4 =	vld [tilespmem:s24+$0x4060]  }
0x3b: {  	s25 =	sadd.s32 $0x200, s25;
	v1 =	vld [tilespmem:s26+$0x70];
	[tilespmem:s24+$0x8030] =	vst v6;
	v5 =	vadd.f32 v7, v5  }
0x3c: {  	v6 =	vld [tilespmem:s26+$0x4070]  }
0x3d: {  	v7 =	vld [tilespmem:s26+$0x0];
	[tilespmem:s24+$0x8040] =	vst v5;
	v2 =	vadd.f32 v3, v2  }
0x3e: {  	v3 =	vld [tilespmem:s26+$0x4000]  }
0x3f: {  	v5 =	vld [tilespmem:s26+$0x10];
	[tilespmem:s24+$0x8050] =	vst v2;
	v0 =	vadd.f32 v4, v0  }
0x40: {  	v2 =	vld [tilespmem:s26+$0x4010]  }
0x41: {  	v4 =	vld [tilespmem:s26+$0x20];
	[tilespmem:s24+$0x8060] =	vst v0  }
0x42: {  	v0 =	vadd.f32 v6, v1;
	v1 =	vld [tilespmem:s26+$0x4020]  }
0x43: {  	v6 =	vld [tilespmem:s26+$0x30]  }
0x44: {  	v3 =	vadd.f32 v3, v7;
	[tilespmem:s26+$0x8070] =	vst v0;
	v0 =	vld [tilespmem:s26+$0x4030]  }
0x45: {  	v7 =	vld [tilespmem:s26+$0x4060]  }
0x46: {  	[tilespmem:s26+$0x8000] =	vst v3;
	v2 =	vadd.f32 v2, v5;
	v3 =	vld [tilespmem:s26+$0x40]  }
0x47: {  	v5 =	vld [tilespmem:s26+$0x4040]  }
0x48: {  	[tilespmem:s26+$0x8010] =	vst v2;
	v1 =	vadd.f32 v1, v4;
	v2 =	vld [tilespmem:s26+$0x50]  }
0x49: {  	v4 =	vld [tilespmem:s26+$0x4050]  }
0x4a: {  	[tilespmem:s26+$0x8020] =	vst v1;
	v1 =	vld [tilespmem:s26+$0x60];
	_ =	sdelay $0x1  }
0x4b: {  	v0 =	vadd.f32 v0, v6  }
0x4c: {  	v3 =	vadd.f32 v5, v3  }
0x4d: {  	s24 =	sshll.u32 s23, $0xF;
	[tilespmem:s26+$0x8030] =	vst v0;
	v0 =	vadd.f32 v4, v2  }
0x4e: {  	s25 =	sor.u32 s6, s24;
	[tilespmem:s26+$0x8040] =	vst v3;
	v1 =	vadd.f32 v7, v1  }
0x4f: {  	s25 =	sshrl.u32 s25, $0x3;
	[tilespmem:s26+$0x8050] =	vst v0  }
0x50: {  	s28 =	simm.s32 $0x0;
	s31 =	sadd.s32 s5, s25;
	[tilespmem:s26+$0x8060] =	vst v1  }
0x51: {  	[hbm4b:s31+s28] =	stream.linear.scatter [tilespmem:s17], [sflag:$0x3], $0x4000, $0x38;
	[tilespmem:$0x18000] =	vst v63  }
0x52: {  	_ =	swait.ge [sflag:s18], $0x4000  }
0x53: {  	[sflag:s18] =	ssyncset.done $0x0  }
0x54: {  	[sflag:s18] =	ssyncadd.s32 $0xFFFFC000  }
0x55: {  	_ =	swait.ge [sflag:s18], $0x4000  }
0x56: {  	[sflag:s18] =	ssyncset.done $0x0  }
0x57: {  	s26 =	simm.s32 $0x0;
	[sflag:s18] =	ssyncadd.s32 $0xFFFFC000  }
0x58: {  	v0 =	vld [tilespmem:s26+$0xC070]  }
0x59: {  	v1 =	vld [tilespmem:s26+$0x10070]  }
0x5a: {  	v2 =	vld [tilespmem:s26+$0xC000]  }
0x5b: {  	v3 =	vld [tilespmem:s26+$0x10000]  }
0x5c: {  	v4 =	vld [tilespmem:s26+$0xC010]  }
0x5d: {  	v5 =	vld [tilespmem:s26+$0x10010]  }
0x5e: {  	v6 =	vld [tilespmem:s26+$0xC020]  }
0x5f: {  	v7 =	vld [tilespmem:s26+$0xC030]  }
0x60: {  	v0 =	vadd.f32 v1, v0;
	v1 =	vld [tilespmem:s26+$0x10020]  }
0x61: {  	v8 =	vld [tilespmem:s26+$0x10030]  }
0x62: {  	v9 =	vld [tilespmem:s26+$0x10040];
	v2 =	vadd.f32 v3, v2  }
0x63: {  	[tilespmem:s26+$0x14070] =	vst v0;
	v0 =	vadd.f32 v5, v4;
	v5 =	vld [tilespmem:s26+$0xC040]  }
0x64: {  	v3 =	vld [tilespmem:s26+$0x10050];
	[tilespmem:s26+$0x14000] =	vst v2  }
0x65: {  	v2 =	vld [tilespmem:s26+$0xC050];
	[tilespmem:s26+$0x14010] =	vst v0;
	v0 =	vadd.f32 v1, v6  }
0x66: {  	v4 =	vld [tilespmem:s26+$0x10060];
	v6 =	vadd.f32 v8, v7  }
0x67: {  	s28 =	simm.s32 $0x80;
	[tilespmem:s26+$0x14020] =	vst v0;
	v0 =	vld [tilespmem:s26+$0xC060]  }
0x68: {  	s29 =	simm.s32 $0x400;
	v5 =	vadd.f32 v9, v5;
	v1 =	vld [tilespmem:s28+$0xC070];
	[tilespmem:s26+$0x14030] =	vst v6  }
.LBB2_5:
0x69: {  	p0 =	sne.s32 s29, $0xFE00;
	v6 =	vld [tilespmem:s28+$0x10070]  }
0x6a: {  	v7 =	vld [tilespmem:s28+$0xC000];
	[tilespmem:s26+$0x14040] =	vst v5;
	v2 =	vadd.f32 v3, v2  }
0x6b: {  	v3 =	vld [tilespmem:s28+$0x10000]  }
0x6c: {  	v5 =	vld [tilespmem:s28+$0xC010];
	[tilespmem:s26+$0x14050] =	vst v2;
	v0 =	vadd.f32 v4, v0  }
0x6d: {  	v2 =	vld [tilespmem:s28+$0x10010]  }
0x6e: {  	v4 =	vld [tilespmem:s28+$0xC020];
	v1 =	vadd.f32 v6, v1;
	[tilespmem:s26+$0x14060] =	vst v0;
	s26 =	smov.u32 s28  }
0x6f: {  	v0 =	vld [tilespmem:s26+$0x10020]  }
0x70: {  	v3 =	vadd.f32 v3, v7;
	v6 =	vld [tilespmem:s26+$0xC030];
	[tilespmem:s26+$0x14070] =	vst v1  }
0x71: {  	v1 =	vld [tilespmem:s26+$0x10030]  }
0x72: {  	[tilespmem:s26+$0x14000] =	vst v3;
	v2 =	vadd.f32 v2, v5;
	v5 =	vld [tilespmem:s26+$0xC040]  }
0x73: {  	v7 =	vld [tilespmem:s26+$0x10040]  }
.Ltmp1:
0x74: {  	[tilespmem:s26+$0x14010] =	vst v2;
	v0 =	vadd.f32 v0, v4;
	v2 =	vld [tilespmem:s26+$0xC050];
	(pc) =	sbr.rel @p0 .LBB2_5-.Ltmp1, $4  }
0x75: {  	v3 =	vld [tilespmem:s26+$0x10050]  }
0x76: {  	[tilespmem:s26+$0x14020] =	vst v0;
	v6 =	vadd.f32 v1, v6;
	v0 =	vld [tilespmem:s26+$0xC060]  }
0x77: {  	s28 =	sshra.s32 s29, $0x2;
	v4 =	vld [tilespmem:s26+$0x10060]  }
0x78: {  	s29 =	sadd.s32 $0x200, s29;
	v1 =	vld [tilespmem:s28+$0xC070];
	[tilespmem:s26+$0x14030] =	vst v6;
	v5 =	vadd.f32 v7, v5  }
0x79: {  	v6 =	vld [tilespmem:s28+$0x10070]  }
0x7a: {  	v7 =	vld [tilespmem:s28+$0xC000];
	[tilespmem:s26+$0x14040] =	vst v5;
	v2 =	vadd.f32 v3, v2  }
0x7b: {  	v51 =	vld [tilespmem:s28+$0x10000]  }
0x7c: {  	v5 =	vld [tilespmem:s28+$0xC010];
	[tilespmem:s26+$0x14050] =	vst v2;
	v0 =	vadd.f32 v4, v0  }
0x7d: {  	v2 =	vld [tilespmem:s28+$0x10010]  }
0x7e: {  	v52 =	vld [tilespmem:s28+$0xC020];
	[tilespmem:s26+$0x14060] =	vst v0  }
0x7f: {  	v54 =	vld [tilespmem:s28+$0x10020]  }
0x80: {  	v55 =	vld [tilespmem:s28+$0xC030]  }
0x81: {  	v56 =	vld [tilespmem:s28+$0x10030]  }
0x82: {  	v57 =	vld [tilespmem:s28+$0xC040]  }
0x83: {  	v58 =	vld [tilespmem:s28+$0x10040]  }
0x84: {  	v59 =	vld [tilespmem:s28+$0xC050]  }
0x85: {  	v53 =	vadd.f32 v6, v1;
	v60 =	vld [tilespmem:s28+$0x10050]  }
0x86: {  	v61 =	vld [tilespmem:s28+$0xC060];
	v3 =	vadd.f32 v51, v7  }
0x87: {  	v62 =	vld [tilespmem:s28+$0x10060];
	[tilespmem:s28+$0x14070] =	vst v53;
	v2 =	vadd.f32 v2, v5  }
0x88: {  	[tilespmem:s28+$0x14000] =	vst v3;
	v1 =	vadd.f32 v54, v52  }
0x89: {  	[tilespmem:s28+$0x14010] =	vst v2;
	v0 =	vadd.f32 v56, v55  }
0x8a: {  	v3 =	vadd.f32 v58, v57;
	[tilespmem:s28+$0x14020] =	vst v1  }
0x8b: {  	v63 =	vadd.f32 v60, v59;
	[tilespmem:s28+$0x14030] =	vst v0  }
0x8c: {  	[tilespmem:s28+$0x14040] =	vst v3;
	v1 =	vadd.f32 v62, v61  }
0x8d: {  	s25 =	sadd.s32 s25, s5;
	[tilespmem:s28+$0x14050] =	vst v63  }
0x8e: {  	p0 =	seq.s32 s23, $0x1F;
	s25 =	sadd.s32 $0x800, s25;
	[tilespmem:s28+$0x14060] =	vst v1  }
0x8f: {  	[hbm4b:s25+s3] =	stream.linear.scatter [tilespmem:s19], [sflag:$0x4], $0x4000, $0x38;
	[tilespmem:$0x18000] =	vst v63  }
0x90: {  	s25 =	sadd.s32 @!p0 $0x8000, s24  }
0x91: {  	s26 =	sadd.s32 @!p0 s6, s25  }
0x92: {  	s25 =	sadd.s32 @!p0 s7, s25;
	s26 =	sshrl.u32 @!p0 s26, $0x3  }
0x93: {  	s28 =	simm.s32 @!p0 $0x0;
	s25 =	sshrl.u32 @!p0 s25, $0x3;
	s26 =	sadd.s32 @!p0 s1, s26  }
0x94: {  	[tilespmem:s28], [sflag:$0x1] =	stream.linear.gather @!p0 [hbm4b:s26+s28], $0x4000, $0x38;
	[tilespmem:$0x18000] =	vst v63  }
0x95: {  	s24 =	sadd.s32 @!p0 $0xC000, s24;
	s25 =	sadd.s32 @!p0 s4, s25;
	s26 =	simm.s32 @!p0 $0x4000  }
0x96: {  	[tilespmem:s26], [sflag:$0x1] =	stream.linear.gather @!p0 [hbm4b:s25+s28], $0x4000, $0x38;
	[tilespmem:$0x18000] =	vst v63  }
0x97: {  	s25 =	sadd.s32 @!p0 s6, s24  }
0x98: {  	s24 =	sadd.s32 @!p0 s7, s24;
	s25 =	sshrl.u32 @!p0 s25, $0x3  }
0x99: {  	s26 =	simm.s32 @!p0 $0xC000;
	s24 =	sshrl.u32 @!p0 s24, $0x3;
	s25 =	sadd.s32 @!p0 s1, s25  }
0x9a: {  	[tilespmem:s26], [sflag:$0x2] =	stream.linear.gather @!p0 [hbm4b:s25+s28], $0x4000, $0x38;
	[tilespmem:$0x18000] =	vst v63  }
0x9b: {  	s23 =	sadd.s32 $0x1, s23;
	s24 =	sadd.s32 @!p0 s4, s24;
	s25 =	simm.s32 @!p0 $0x10000  }
0x9c: {  	[tilespmem:s25], [sflag:$0x2] =	stream.linear.gather @!p0 [hbm4b:s24+s28], $0x4000, $0x38;
	[tilespmem:$0x18000] =	vst v63  }
0x9d: {  	p0 =	sne.s32 s23, $0x20;
	_ =	swait.ge [sflag:s20], $0x4000  }
.Ltmp2:
0x9e: {  	[sflag:s20] =	ssyncset.done $0x0;
	(pc) =	sbr.rel @p0 .LBB2_2-.Ltmp2, $4  }
0x9f: {  	[sflag:s20] =	ssyncadd.s32 $0xFFFFC000  }
0xa0: {  	_ =	swait.ge [sflag:s21], $0x4000  }
0xa1: {  	[sflag:s21] =	ssyncset.done $0x0  }
0xa2: {  	[sflag:s21] =	ssyncadd.s32 $0xFFFFC000  }
0xa3: {  	s22 =	sadd.s32 $0x1, s22  }
0xa4: {  	p0 =	sne.s32 s22, s12  }
.Ltmp3:
0xa5: {  	_ = 	snop;
	(pc) =	sbr.rel @p0 .LBB2_1-.Ltmp3, $1  }
0xa6: {  	_ =	sdelay $0x3  }
0xa7: {  	_ =	sfence.sel $0x180000  }
0xa8: {  	[bflag:$0x0] =	sbarrier.arrive $0xFFFF  }
0xa9: {  	p0 =	sne.s32 s2, $0x0;
	_ =	strace $0x9000004D  }
0xaa: {  	s0 =	sadd.s32 @!p0 $0x100000, s0;
	[bflag:$0x2] =	sbarrier.arrive $0xFFFF  }
0xab: {  	[sflag:s0] =	ssyncadd.tile.s32 @!p0 $0x1;
	_ =	shalt  }
.Lfunc_end2:
_tile_overlayer_lowered:
.L_overlay_start_2:
0xac: {  	(tag) =	ssettag $0x2  }
0xad: {  	s0 =	rddreg [dreg:$0x0];
	s2 =	stileid.u32  }
0xae: {  	s1 =	rddreg [dreg:$0x1];
	p0 =	sne.s32 s2, $0x0  }
0xaf: {  	s3 =	rddreg [dreg:$0x2];
	[bflag:$0x3] =	sbarrier.arrive $0xFFFF;
	s2 =	simm.s32 @!p0 $0x1C05  }
0xb0: {  	[timem:s3], [sflag:s2] =	dma.local @!p0 [hbm:s0], s1  }
0xb1: {  	s0 =	simm.s32 @!p0 $0x5  }
0xb2: {  	_ =	swait.ge @!p0 [sflag:s0], s1  }
0xb3: {  	s1 =	ssub.s32 @!p0 $0x0, s1;
	[sflag:s0] =	ssyncset.done @!p0 $0x0  }
0xb4: {  	[sflag:s0] =	ssyncadd.s32 @!p0 s1  }
0xb5: {  	[bflag:$0x3] =	sbarrier.arrive $0xFFFF  }
0xb6: {  	_ =	shalt  }

// kernel: sparse-core-data-format-call.1.cloned.1.call-start
scs
called_computation.1_lowered:
.L_overlay_start_0:
0x0: {  	s2 =	sld [smem:$0x3FD9]  }
0x1: {  	s3 =	sld [smem:$0x3FFE];
	_ =	sdelay $0x1  }
0x2: {  	s1 =	srdreg.scid  }
0x3: {  	s0 =	sand.u32 $0x1, s1  }
0x4: {  	s19 =	sshll.u32 s0, $0xA;
	s2 =	sadd.s32 s3, s2  }
0x5: {  	s2 =	sadd.s32 s2, s19  }
0x6: {  	[smem:$0x3FC6] =	sst s2  }
0x7: {  	_ = 	snop  }
0x8: {  	s20 =	sld [smem:$0x3FC9]  }
0x9: {  	s4 =	sld [smem:$0x3FD0];
	(tm) =	ssettm $0x1  }
0xa: {  	s21 =	sld [smem:$0x3FFB];
	_ =	sdelay $0x3  }
0xb: {  	_ =	strace s21  }
0xc: {  	s2 =	sld [smem:$0x3FFC];
	_ =	sdelay $0x3  }
0xd: {  	_ =	strace s2  }
0xe: {  	s2 =	sld [smem:$0x3FFD];
	_ =	sdelay $0x3  }
0xf: {  	_ =	strace s2  }
0x10: {  	_ =	strace $0x8FFFFFFF  }
0x11: {  	s22 =	sld [smem:$0x3FDB];
	_ =	sdelay $0x1  }
0x12: {  	s5 =	simm.s32 $_scs_section_size  }
0x13: {  	s6 =	simm.s32 $_size__tile_overlayer_lowered;
	s7 =	simm.s32 $_tile_overlayer_lowered  }
0x14: {  	s8 =	simm.s32 $0x1BFF;
	s23 =	sshll.u32 s7, $0x1;
	s5 =	sadd.s32 s5, s22  }
0x15: {  	s24 =	simm.s32 $0x0;
	s6 =	sshll.u32 s6, $0x1;
	s7 =	sadd.s32 s23, s5  }
0x16: {  	[timem:s24], [sflag:s8] =	dma.local [hbm:s7], s6  }
0x17: {  	_ =	swait.ge [sflag:s8], s6  }
0x18: {  	s6 =	ssub.s32 $0x0, s6;
	[sflag:s8] =	ssyncset.done $0x0  }
0x19: {  	[sflag:s8] =	ssyncadd.s32 s6;
	_ =	sdelay $0x1  }
0x1a: {  	s25 =	simm.s32 $0x1B8B  }
0x1b: {  	_ =	swait.ge [sflag:s25], $0x1  }
0x1c: {  	[sflag:s25] =	ssyncset.done $0x0  }
0x1d: {  	[sflag:s25] =	ssyncadd.s32 $0xFFFFFFFF  }
0x1e: {  	s6 =	sld [smem:$0x0]  }
0x1f: {  	s7 =	sand.u32 $0xFFFFFFFE, s1  }
0x20: {  	p0 =	sne.s32 s1, s7  }
0x21: {  	s7 =	sshll.u32 @p0 s7, $0xE  }
0x22: {  	s7 =	sadd.s32 @p0 $0x11B8D, s7;
	s8 =	sshll.u32 @p0 s6, $0x11  }
0x23: {  	s7 =	sor.u32 @p0 s8, s7  }
0x24: {  	[sflag:s7] =	ssyncadd.remote.s32 @p0 $0x1;
	_ =	sdelay $0x1  }
0x25: {  	s7 =	simm.s32 @p0 $0x1B8D  }
0x26: {  	_ =	swait.eq @p0 [sflag:s7], $0x1  }
0x27: {  	[sflag:s7] =	ssyncadd.s32 @p0 $0xFFFFFFFF  }
0x28: {  	s8 =	sshll.u32 @!p0 s1, $0xE  }
0x29: {  	s8 =	sor.u32 @!p0 $0x4000, s8;
	s7 =	simm.s32 @!p0 $0x1B8D  }
0x2a: {  	s6 =	sshll.u32 @!p0 s6, $0x11;
	s8 =	sadd.s32 @!p0 $0x11B8D, s8;
	_ =	swait.eq @!p0 [sflag:s7], $0x1  }
0x2b: {  	s6 =	sor.u32 @!p0 s6, s8;
	[sflag:s7] =	ssyncadd.s32 @!p0 $0xFFFFFFFF  }
0x2c: {  	s26 =	simm.s32 $0x1B8E;
	[sflag:s6] =	ssyncadd.remote.s32 @!p0 $0x1  }
0x2d: {  	s27 =	simm.s32 $execute0_lowered;
	[smem:$0x3FD2] =	sst s26  }
0x2e: {  	s6 =	sshll.u32 s27, $0x1;
	_ =	strace $0x80000049;
	[dreg:$0x1] =	wrdreg $0xFFFFFFFF  }
0x2f: {  	s28 =	simm.s32 $_size_execute0_lowered;
	s5 =	sadd.s32 s5, s6;
	[dreg:$0x0] =	wrdreg $0x0  }
0x30: {  	s6 =	sshll.u32 s28, $0x1;
	[dreg:$0x2] =	wrdreg s5  }
0x31: {  	[dreg:$0x3] =	wrdreg s6  }
0x32: {  	[dreg:$0x4] =	wrdreg $0xC0  }
0x33: {  	_ =	task [dreg:s24], $0x5FFFF  }
0x34: {  	[dreg:$0x1] =	wrdreg $0xFFFFFFFF  }
0x35: {  	[dreg:$0x0] =	wrdreg $0x60  }
0x36: {  	[dreg:$0x2] =	wrdreg s20  }
0x37: {  	[dreg:$0x3] =	wrdreg s4  }
0x38: {  	[dreg:$0x4] =	wrdreg $0xA  }
0x39: {  	_ =	task.clear_ibuf [dreg:s24], $0x5FFFF;
	_ =	strace $0x90000049  }
0x3a: {  	s29 =	simm.s32 $0xA;
	_ =	strace $0x8000004B  }
0x3b: {  	_ =	swait.ge [sflag:s29], $0x1  }
0x3c: {  	[sflag:s29] =	ssyncadd.s32 $0xFFFFFFFF  }
0x3d: {  	_ =	strace $0x9000004B  }
0x3e: {  	_ =	sfence  }
0x3f: {  	s30 =	sld [smem:$0x0];
	_ =	sdelay $0x2  }
0x40: {  	s31 =	sshll.u32 s1, $0xD;
	s1 =	sshrl.u32 s1, $0x2  }
0x41: {  	s4 =	sand.u32 $0x4000, s31;
	s1 =	sadd.s32 s1, s30  }
0x42: {  	s0 =	sor.u32 s4, s0;
	s1 =	sshll.u32 s1, $0x11  }
0x43: {  	s0 =	sor.u32 s1, s0  }
0x44: {  	s0 =	sadd.s32 $0x8F2B, s0  }
0x45: {  	[sflag:s0] =	ssyncadd.remote.s32 $0x1  }
0x46: {  	_ =	sfence.sel $0xFFFF  }
0x47: {  	[dreg:$0x0] =	wrdreg $0xFFFFFFFF;
	(pc) =	sbr.abs _section_cstart, $3  }
0x48: {  	[dreg:$0x1] =	wrdreg $0xFFFFFFFF  }
0x49: {  	_ =	task.clear_ibuf [dreg:s24], $0x2FFFF;
	_ =	strace $0x9FFFFFFF  }
0x4a: {  	(tm) =	ssettm $0x7FFFFFFF  }
0x4b: {  	_ =	shalt  }
tec
execute0_lowered:
.L_overlay_start_1:
0x0: {  	(tag) =	ssettag $0x1  }
0x1: {  	s0 =	srdreg.scid  }
0x2: {  	s1 =	sshll.u32 s0, $0x4  }
0x3: {  	s2 =	rddreg [dreg:$0x0];
	s0 =	stileid.u32;
	s1 =	sand.u32 $0x10, s1  }
0x4: {  	s4 =	rddreg [dreg:$0x1];
	s1 =	sor.u32 s0, s1  }
0x5: {  	s7 =	simm.s32 $0x1;
	s8 =	simm.s32 $0x2;
	s3 =	sshll.u32 s1, $0x1  }
0x6: {  	s9 =	simm.s32 $0x0;
	s12 =	simm.s32 $0x0;
	s6 =	ssub.s32 $0x1000, s3  }
.Ltmp0:
0x7: {  	s11 =	simm.s32 $0x0;
	s5 =	sand.u32 $0x3E, s6;
	(pc) =	sbr.rel .LBB1_1-.Ltmp0, $4  }
0x8: {  	s1 =	rddreg [dreg:$0x2];
	_ =	strace $0x8000004A;
	p0 =	sne.s32 s5, $0x0  }
0x9: {  	s6 =	sshrl.u32 s6, $0x6;
	s5 =	simm.s32 $0x1;
	s7 =	simm.s32 @!p0 $0x0  }
0xa: {  	s10 =	smov.u32 s3;
	[sflag:s5] =	ssyncpa.u1 $0x0;
	s6 =	sadd.s32 s7, s6  }
0xb: {  	[sflag:s8] =	ssyncpa.u1 $0x0;
	s8 =	simm.s32 $0x0;
	s7 =	sadd.s32 $0x1, s6  }
.LBB1_9:
0xc: {  	s14 =	sadd.s32 $0x40, s10  }
0xd: {  	p1 =	sgt.s32 s14, $0xFFF  }
0xe: {  	s14 =	smov.u32 @p1 s3;
	p1 =	sne.s32 s11, s7  }
.Ltmp1:
0xf: {  	p0 =	slt.u32 s11, $0x2;
	(pc) =	sbr.rel @!p1 .LBB1_10-.Ltmp1, $4  }
0x10: {  	s13 =	simm.s32 @!p0 $0x2  }
0x11: {  	s15 =	sadd.s32 $0x1, s11;
	_ =	swait.ge @!p0 [sflag:s13], $0x4000  }
0x12: {  	s12 =	smov.u32 s10;
	s9 =	sadd.s32 $0x4000, s9;
	[sflag:s13] =	ssyncset.done @!p0 $0x0  }
0x13: {  	s11 =	smov.u32 s15;
	s10 =	smov.u32 s14;
	[sflag:s13] =	ssyncadd.s32 @!p0 $0xFFFFC000  }
.LBB1_1:
0x14: {  	p0 =	sge.u32 s11, s6  }
0x15: {  	s13 =	sxor.u32 @!p0 $0xFFFFFFFF, s11  }
0x16: {  	s31 =	sadd.s32 $0xFFFFFFFF, s11;
	s14 =	sshll.u32 @!p0 s10, $0xA;
	s13 =	sshll.u32 @!p0 s13, $0xE  }
0x17: {  	s15 =	simm.s32 @!p0 $0x0;
	s14 =	sadd.s32 @!p0 s2, s14;
	s13 =	sand.u32 @!p0 $0x4000, s13  }
0x18: {  	[tilespmem:s13], [sflag:$0x1] =	stream.linear.gather @!p0 [hbm4b:s14+s15], $0x4000, $0x38;
	[tilespmem:$0x10000] =	vst v63  }
0x19: {  	p0 =	sge.u32 s31, s6  }
.Ltmp2:
0x1a: {  	_ = 	snop;
	(pc) =	sbr.rel @p0 .LBB1_9-.Ltmp2, $1  }
0x1b: {  	_ =	sdelay $0x3  }
0x1c: {  	s13 =	sshll.u32 s9, $0x2  }
0x1d: {  	_ =	swait.ge [sflag:s5], $0x4000;
	s14 =	sshll.u32 s11, $0xE;
	s16 =	simm.s32 $0x0  }
0x1e: {  	p1 =	por $0x1, $0x1;
	s13 =	sand.u32 $0x10000, s13;
	[sflag:s5] =	ssyncset.done $0x0  }
0x1f: {  	s14 =	sand.u32 $0x4000, s14;
	s15 =	sshrl.u32 s13, $0x2;
	[sflag:s5] =	ssyncadd.s32 $0xFFFFC000  }
0x20: {  	s13 =	sor.u32 $0x8000, s14;
	s14 =	sadd.s32 $0x8040, s15;
	s15 =	sadd.s32 $0x40, s15  }
.LBB1_3:
0x21: {  	s16 =	sshll.u32 s16, $0x2  }
0x22: {  	p0 =	por p1, p1;
	s17 =	sshra.s32 s16, $0x2  }
0x23: {  	s18 =	simm.s32 $0x0;
	s16 =	sadd.s32 s17, s14;
	s17 =	sadd.s32 s17, s15  }
.LBB1_4:
0x24: {  	v0 =	vmov s17;
	_ =	sdelay $0x3  }
0x25: {  	s20 =	simm.s32 $0x0  }
0x26: {  	v6 =	vld.idx.msk [tilespmem:v0+s20+$0x30 ss:$0x1], $0xffff  }
0x27: {  	v7 =	vld.idx.msk [tilespmem:v0+s20+$0xFFFFFFC0 ss:$0x1], $0xffff  }
0x28: {  	v5 =	vld.idx.msk [tilespmem:v0+s20+$0xFFFFFFD0 ss:$0x1], $0xffff  }
0x29: {  	v4 =	vld.idx.msk [tilespmem:v0+s20+$0xFFFFFFE0 ss:$0x1], $0xffff  }
0x2a: {  	v3 =	vld.idx.msk [tilespmem:v0+s20+$0xFFFFFFF0 ss:$0x1], $0xffff  }
0x2b: {  	v1 =	vld.idx.msk [tilespmem:v0+s20+$0x0 ss:$0x1], $0xffff  }
0x2c: {  	v2 =	vld.idx.msk [tilespmem:v0+s20+$0x10 ss:$0x1], $0xffff;
	[tilespmem:s16+$0x30] =	vst v6  }
0x2d: {  	s19 =	simm.s32 $0x80;
	s21 =	simm.s32 $0x400;
	[tilespmem:s16+$0xFFFFFFC0] =	vst v7;
	v6 =	vld.idx.msk [tilespmem:v0+s20+$0x20 ss:$0x1], $0xffff;
	s20 =	smov.u32 s16  }
.LBB1_5:
0x2e: {  	p1 =	sne.s32 s21, $0xE00;
	v7 =	vld.idx.msk [tilespmem:v0+s19+$0x30 ss:$0x1], $0xffff;
	[tilespmem:s20+$0xFFFFFFD0] =	vst v5  }
0x2f: {  	v8 =	vld.idx.msk [tilespmem:v0+s19+$0xFFFFFFC0 ss:$0x1], $0xffff;
	[tilespmem:s20+$0xFFFFFFE0] =	vst v4  }
0x30: {  	v5 =	vld.idx.msk [tilespmem:v0+s19+$0xFFFFFFD0 ss:$0x1], $0xffff;
	[tilespmem:s20+$0xFFFFFFF0] =	vst v3  }
.Ltmp3:
0x31: {  	v4 =	vld.idx.msk [tilespmem:v0+s19+$0xFFFFFFE0 ss:$0x1], $0xffff;
	[tilespmem:s20+$0x0] =	vst v1;
	(pc) =	sbr.rel @p1 .LBB1_5-.Ltmp3, $4  }
0x32: {  	v3 =	vld.idx.msk [tilespmem:v0+s19+$0xFFFFFFF0 ss:$0x1], $0xffff;
	[tilespmem:s20+$0x10] =	vst v2  }
0x33: {  	v1 =	vld.idx.msk [tilespmem:v0+s19+$0x0 ss:$0x1], $0xffff;
	[tilespmem:s20+$0x20] =	vst v6;
	s20 =	sadd.s32 $0x400, s20  }
0x34: {  	v2 =	vld.idx.msk [tilespmem:v0+s19+$0x10 ss:$0x1], $0xffff;
	[tilespmem:s20+$0x30] =	vst v7  }
0x35: {  	[tilespmem:s20+$0xFFFFFFC0] =	vst v8;
	v6 =	vld.idx.msk [tilespmem:v0+s19+$0x20 ss:$0x1], $0xffff;
	s19 =	sshra.s32 s21, $0x2;
	s21 =	sadd.s32 $0x200, s21  }
0x36: {  	_ =	sdelay $0x2  }
0x37: {  	[tilespmem:s20+$0xFFFFFFD0] =	vst v5  }
0x38: {  	v56 =	vld.idx.msk [tilespmem:v0+s19+$0x30 ss:$0x1], $0xffff;
	[tilespmem:s20+$0xFFFFFFE0] =	vst v4  }
0x39: {  	v57 =	vld.idx.msk [tilespmem:v0+s19+$0xFFFFFFC0 ss:$0x1], $0xffff;
	[tilespmem:s20+$0xFFFFFFF0] =	vst v3  }
0x3a: {  	v58 =	vld.idx.msk [tilespmem:v0+s19+$0xFFFFFFD0 ss:$0x1], $0xffff;
	[tilespmem:s20+$0x0] =	vst v1  }
0x3b: {  	v59 =	vld.idx.msk [tilespmem:v0+s19+$0xFFFFFFE0 ss:$0x1], $0xffff;
	[tilespmem:s20+$0x10] =	vst v2  }
0x3c: {  	v60 =	vld.idx.msk [tilespmem:v0+s19+$0xFFFFFFF0 ss:$0x1], $0xffff;
	s31 =	sadd.s32 $0x400, s20;
	[tilespmem:s20+$0x20] =	vst v6  }
0x3d: {  	v61 =	vld.idx.msk [tilespmem:v0+s19+$0x0 ss:$0x1], $0xffff;
	[tilespmem:s31+$0x30] =	vst v56  }
0x3e: {  	v62 =	vld.idx.msk [tilespmem:v0+s19+$0x10 ss:$0x1], $0xffff;
	s18 =	sadd.s32 $0x1, s18;
	[tilespmem:s31+$0xFFFFFFC0] =	vst v57  }
0x3f: {  	v63 =	vld.idx.msk [tilespmem:v0+s19+$0x20 ss:$0x1], $0xffff;
	p1 =	sne.s32 s18, $0x8;
	[tilespmem:s31+$0xFFFFFFD0] =	vst v58  }
.Ltmp4:
0x40: {  	[tilespmem:s31+$0xFFFFFFE0] =	vst v59;
	(pc) =	sbr.rel @p1 .LBB1_4-.Ltmp4, $4  }
0x41: {  	[tilespmem:s31+$0xFFFFFFF0] =	vst v60  }
0x42: {  	[tilespmem:s31+$0x0] =	vst v61  }
0x43: {  	[tilespmem:s31+$0x10] =	vst v62  }
0x44: {  	s16 =	sadd.s32 $0x80, s16;
	s17 =	sadd.s32 $0x400, s17;
	[tilespmem:s31+$0x20] =	vst v63  }
.Ltmp5:
0x45: {  	(pc) =	sbr.rel @p0 .LBB1_3-.Ltmp5, $2  }
0x46: {  	_ =	sdelay $0x2  }
0x47: {  	s16 =	simm.s32 $0x2000;
	p1 =	por $0x0, $0x0  }
.Ltmp6:
0x48: {  	(pc) =	sbr.rel .LBB1_9-.Ltmp6, $4  }
0x49: {  	_ = 	snop  }
0x4a: {  	s12 =	sshll.u32 s12, $0xA  }
0x4b: {  	s12 =	sadd.s32 s4, s12  }
0x4c: {  	[hbm4b:s12+s8] =	stream.linear.scatter [tilespmem:s13], [sflag:$0x2], $0x4000, $0x38;
	[tilespmem:$0x10000] =	vst v63  }
.LBB1_10:
0x4d: {  	_ =	sfence.sel $0x180000  }
0x4e: {  	s2 =	simm.s32 $0x1;
	[bflag:$0x0] =	sbarrier.arrive $0xFFFF  }
0x4f: {  	s31 =	simm.s32 $0x2;
	[sflag:s2] =	ssyncpa.u1 $0x1  }
0x50: {  	[sflag:s31] =	ssyncpa.u1 $0x1  }
0x51: {  	p0 =	sne.s32 s0, $0x0;
	_ =	strace $0x9000004A  }
0x52: {  	s0 =	sadd.s32 @!p0 $0x100000, s1;
	[bflag:$0x2] =	sbarrier.arrive $0xFFFF  }
0x53: {  	[sflag:s0] =	ssyncadd.tile.s32 @!p0 $0x1;
	_ =	shalt  }
.Lfunc_end1:
_tile_overlayer_lowered:
.L_overlay_start_2:
0x54: {  	(tag) =	ssettag $0x2  }
0x55: {  	s0 =	rddreg [dreg:$0x0];
	s2 =	stileid.u32  }
0x56: {  	s1 =	rddreg [dreg:$0x1];
	p0 =	sne.s32 s2, $0x0  }
0x57: {  	s3 =	rddreg [dreg:$0x2];
	[bflag:$0x3] =	sbarrier.arrive $0xFFFF;
	s2 =	simm.s32 @!p0 $0x1C01  }
0x58: {  	[timem:s3], [sflag:s2] =	dma.local @!p0 [hbm:s0], s1  }
0x59: {  	s0 =	simm.s32 @!p0 $0x1  }
0x5a: {  	_ =	swait.ge @!p0 [sflag:s0], s1  }
0x5b: {  	s1 =	ssub.s32 @!p0 $0x0, s1;
	[sflag:s0] =	ssyncset.done @!p0 $0x0  }
0x5c: {  	[sflag:s0] =	ssyncadd.s32 @!p0 s1  }
0x5d: {  	[bflag:$0x3] =	sbarrier.arrive $0xFFFF  }
0x5e: {  	_ =	shalt  }

// kernel: sparse-core-data-format-call.cloned.1.call-start
scs
called_computation_lowered:
.L_overlay_start_0:
0x0: {  	s2 =	sld [smem:$0x3FD9]  }
0x1: {  	s3 =	sld [smem:$0x3FFE];
	_ =	sdelay $0x1  }
0x2: {  	s1 =	srdreg.scid  }
0x3: {  	s0 =	sand.u32 $0x1, s1  }
0x4: {  	s18 =	sshll.u32 s0, $0xA;
	s2 =	sadd.s32 s3, s2  }
0x5: {  	s2 =	sadd.s32 s2, s18  }
0x6: {  	[smem:$0x3FC6] =	sst s2  }
0x7: {  	_ = 	snop  }
0x8: {  	s2 =	sld [smem:$0x3FC8];
	(tm) =	ssettm $0x1  }
0x9: {  	s19 =	sld [smem:$0x3FFB];
	_ =	sdelay $0x3  }
0xa: {  	_ =	strace s19  }
0xb: {  	s3 =	sld [smem:$0x3FFC];
	_ =	sdelay $0x3  }
0xc: {  	_ =	strace s3  }
0xd: {  	s3 =	sld [smem:$0x3FFD];
	_ =	sdelay $0x3  }
0xe: {  	_ =	strace s3  }
0xf: {  	_ =	strace $0x8FFFFFFF  }
0x10: {  	s20 =	sld [smem:$0x3FDB];
	_ =	sdelay $0x1  }
0x11: {  	s4 =	simm.s32 $_scs_section_size  }
0x12: {  	s5 =	simm.s32 $_size__tile_overlayer_lowered;
	s6 =	simm.s32 $_tile_overlayer_lowered  }
0x13: {  	s23 =	simm.s32 $0x1BFF;
	s22 =	sshll.u32 s6, $0x1;
	s3 =	sadd.s32 s4, s20  }
0x14: {  	s7 =	simm.s32 $0x0;
	s21 =	sshll.u32 s5, $0x1;
	s5 =	sadd.s32 s22, s3  }
0x15: {  	[timem:s7], [sflag:s23] =	dma.local [hbm:s5], s21  }
0x16: {  	_ =	swait.ge [sflag:s23], s21  }
0x17: {  	s4 =	ssub.s32 $0x0, s21;
	[sflag:s23] =	ssyncset.done $0x0  }
0x18: {  	[sflag:s23] =	ssyncadd.s32 s4;
	_ =	sdelay $0x1  }
0x19: {  	s24 =	simm.s32 $0x1B8B  }
0x1a: {  	_ =	swait.ge [sflag:s24], $0x1  }
0x1b: {  	[sflag:s24] =	ssyncset.done $0x0  }
0x1c: {  	s26 =	simm.s32 $0x1B8E;
	s25 =	sld [smem:$0x3FFE];
	[sflag:s24] =	ssyncadd.s32 $0xFFFFFFFF  }
0x1d: {  	s27 =	simm.s32 $execute0_lowered;
	[smem:$0x3FD2] =	sst s26  }
0x1e: {  	s5 =	sshll.u32 s27, $0x1;
	_ =	strace $0x80000046;
	[dreg:$0x1] =	wrdreg $0xFFFFFFFF  }
0x1f: {  	s28 =	simm.s32 $_size_execute0_lowered;
	s3 =	sadd.s32 s3, s5;
	[dreg:$0x0] =	wrdreg $0x0  }
0x20: {  	s5 =	sshll.u32 s28, $0x1;
	[dreg:$0x2] =	wrdreg s3  }
0x21: {  	[dreg:$0x3] =	wrdreg s5  }
0x22: {  	[dreg:$0x4] =	wrdreg $0xC0  }
0x23: {  	_ =	task [dreg:s7], $0x5FFFF  }
0x24: {  	[dreg:$0x1] =	wrdreg $0xFFFFFFFF  }
0x25: {  	[dreg:$0x0] =	wrdreg $0x60  }
0x26: {  	[dreg:$0x2] =	wrdreg s2  }
0x27: {  	[dreg:$0x3] =	wrdreg s25  }
0x28: {  	[dreg:$0x4] =	wrdreg $0x9  }
0x29: {  	_ =	task.clear_ibuf [dreg:s7], $0x5FFFF;
	_ =	strace $0x90000046  }
0x2a: {  	s29 =	simm.s32 $0x9;
	_ =	strace $0x80000048  }
0x2b: {  	_ =	swait.ge [sflag:s29], $0x1  }
0x2c: {  	[sflag:s29] =	ssyncadd.s32 $0xFFFFFFFF  }
0x2d: {  	_ =	strace $0x90000048  }
0x2e: {  	_ =	sfence  }
0x2f: {  	s30 =	sld [smem:$0x0];
	_ =	sdelay $0x2  }
0x30: {  	s31 =	sshll.u32 s1, $0xD;
	s1 =	sshrl.u32 s1, $0x2  }
0x31: {  	s3 =	sand.u32 $0x4000, s31;
	s1 =	sadd.s32 s1, s30  }
0x32: {  	s0 =	sor.u32 s3, s0;
	s1 =	sshll.u32 s1, $0x11  }
0x33: {  	s0 =	sor.u32 s1, s0  }
0x34: {  	s0 =	sadd.s32 $0x8F2B, s0  }
0x35: {  	[sflag:s0] =	ssyncadd.remote.s32 $0x1  }
0x36: {  	_ =	sfence.sel $0xFFFF  }
0x37: {  	[dreg:$0x0] =	wrdreg $0xFFFFFFFF;
	(pc) =	sbr.abs _section_cstart, $3  }
0x38: {  	[dreg:$0x1] =	wrdreg $0xFFFFFFFF  }
0x39: {  	_ =	task.clear_ibuf [dreg:s7], $0x2FFFF;
	_ =	strace $0x9FFFFFFF  }
0x3a: {  	(tm) =	ssettm $0x7FFFFFFF  }
0x3b: {  	_ =	shalt  }
tec
execute0_lowered:
.L_overlay_start_1:
0x0: {  	(tag) =	ssettag $0x1  }
0x1: {  	s0 =	srdreg.scid  }
0x2: {  	s1 =	sshll.u32 s0, $0x4  }
0x3: {  	s2 =	rddreg [dreg:$0x0];
	s0 =	stileid.u32;
	s1 =	sand.u32 $0x10, s1  }
0x4: {  	s4 =	rddreg [dreg:$0x1];
	s7 =	simm.s32 $0x1;
	s1 =	sor.u32 s0, s1  }
0x5: {  	s8 =	simm.s32 $0x2;
	s9 =	simm.s32 $0x0;
	s3 =	sshll.u32 s1, $0x1  }
0x6: {  	s12 =	simm.s32 $0x0;
	s11 =	simm.s32 $0x0;
	s6 =	ssub.s32 $0x400, s3  }
.Ltmp0:
0x7: {  	s4 =	sadd.s32 $0xC00, s4;
	s5 =	sand.u32 $0x3E, s6;
	(pc) =	sbr.rel .LBB1_1-.Ltmp0, $4  }
0x8: {  	s1 =	rddreg [dreg:$0x2];
	_ =	strace $0x80000047;
	p0 =	sne.s32 s5, $0x0  }
0x9: {  	s6 =	sshrl.u32 s6, $0x6;
	s5 =	simm.s32 $0x1;
	s7 =	simm.s32 @!p0 $0x0  }
0xa: {  	s10 =	smov.u32 s3;
	[sflag:s5] =	ssyncpa.u1 $0x0;
	s6 =	sadd.s32 s7, s6  }
0xb: {  	[sflag:s8] =	ssyncpa.u1 $0x0;
	s8 =	simm.s32 $0x0;
	s7 =	sadd.s32 $0x1, s6  }
.LBB1_9:
0xc: {  	s14 =	sadd.s32 $0x40, s10  }
0xd: {  	p1 =	sgt.s32 s14, $0x3FF  }
0xe: {  	s14 =	smov.u32 @p1 s3;
	p1 =	sne.s32 s11, s7  }
.Ltmp1:
0xf: {  	p0 =	slt.u32 s11, $0x2;
	(pc) =	sbr.rel @!p1 .LBB1_10-.Ltmp1, $4  }
0x10: {  	s13 =	simm.s32 @!p0 $0x2  }
0x11: {  	s15 =	sadd.s32 $0x1, s11;
	_ =	swait.ge @!p0 [sflag:s13], $0x4000  }
0x12: {  	s12 =	smov.u32 s10;
	s9 =	sadd.s32 $0x4000, s9;
	[sflag:s13] =	ssyncset.done @!p0 $0x0  }
0x13: {  	s11 =	smov.u32 s15;
	s10 =	smov.u32 s14;
	[sflag:s13] =	ssyncadd.s32 @!p0 $0xFFFFC000  }
.LBB1_1:
0x14: {  	p0 =	sge.u32 s11, s6  }
0x15: {  	s13 =	sxor.u32 @!p0 $0xFFFFFFFF, s11  }
0x16: {  	s31 =	sadd.s32 $0xFFFFFFFF, s11;
	s14 =	sshll.u32 @!p0 s10, $0xA;
	s13 =	sshll.u32 @!p0 s13, $0xE  }
0x17: {  	s15 =	simm.s32 @!p0 $0x0;
	s14 =	sadd.s32 @!p0 s2, s14;
	s13 =	sand.u32 @!p0 $0x4000, s13  }
0x18: {  	[tilespmem:s13], [sflag:$0x1] =	stream.linear.gather @!p0 [hbm4b:s14+s15], $0x4000, $0x38;
	[tilespmem:$0x10000] =	vst v63  }
0x19: {  	p0 =	sge.u32 s31, s6  }
.Ltmp2:
0x1a: {  	_ = 	snop;
	(pc) =	sbr.rel @p0 .LBB1_9-.Ltmp2, $1  }
0x1b: {  	_ =	sdelay $0x3  }
0x1c: {  	s13 =	sshll.u32 s9, $0x2  }
0x1d: {  	_ =	swait.ge [sflag:s5], $0x4000;
	s14 =	sshll.u32 s11, $0xE;
	s16 =	simm.s32 $0x0  }
0x1e: {  	p1 =	por $0x1, $0x1;
	s13 =	sand.u32 $0x10000, s13;
	[sflag:s5] =	ssyncset.done $0x0  }
0x1f: {  	s14 =	sand.u32 $0x4000, s14;
	s15 =	sshrl.u32 s13, $0x2;
	[sflag:s5] =	ssyncadd.s32 $0xFFFFC000  }
0x20: {  	s13 =	sor.u32 $0x8000, s14;
	s14 =	sadd.s32 $0x8040, s15;
	s15 =	sadd.s32 $0x40, s15  }
.LBB1_3:
0x21: {  	s16 =	sshll.u32 s16, $0x2  }
0x22: {  	p0 =	por p1, p1;
	s17 =	sshra.s32 s16, $0x2  }
0x23: {  	s18 =	simm.s32 $0x0;
	s16 =	sadd.s32 s17, s14;
	s17 =	sadd.s32 s17, s15  }
.LBB1_4:
0x24: {  	v0 =	vmov s17;
	_ =	sdelay $0x3  }
0x25: {  	s20 =	simm.s32 $0x0  }
0x26: {  	v6 =	vld.idx.msk [tilespmem:v0+s20+$0x30 ss:$0x1], $0xffff  }
0x27: {  	v7 =	vld.idx.msk [tilespmem:v0+s20+$0xFFFFFFC0 ss:$0x1], $0xffff  }
0x28: {  	v5 =	vld.idx.msk [tilespmem:v0+s20+$0xFFFFFFD0 ss:$0x1], $0xffff  }
0x29: {  	v4 =	vld.idx.msk [tilespmem:v0+s20+$0xFFFFFFE0 ss:$0x1], $0xffff  }
0x2a: {  	v3 =	vld.idx.msk [tilespmem:v0+s20+$0xFFFFFFF0 ss:$0x1], $0xffff  }
0x2b: {  	v1 =	vld.idx.msk [tilespmem:v0+s20+$0x0 ss:$0x1], $0xffff  }
0x2c: {  	v2 =	vld.idx.msk [tilespmem:v0+s20+$0x10 ss:$0x1], $0xffff;
	[tilespmem:s16+$0x30] =	vst v6  }
0x2d: {  	s19 =	simm.s32 $0x80;
	s21 =	simm.s32 $0x400;
	[tilespmem:s16+$0xFFFFFFC0] =	vst v7;
	v6 =	vld.idx.msk [tilespmem:v0+s20+$0x20 ss:$0x1], $0xffff;
	s20 =	smov.u32 s16  }
.LBB1_5:
0x2e: {  	p1 =	sne.s32 s21, $0xE00;
	v7 =	vld.idx.msk [tilespmem:v0+s19+$0x30 ss:$0x1], $0xffff;
	[tilespmem:s20+$0xFFFFFFD0] =	vst v5  }
0x2f: {  	v8 =	vld.idx.msk [tilespmem:v0+s19+$0xFFFFFFC0 ss:$0x1], $0xffff;
	[tilespmem:s20+$0xFFFFFFE0] =	vst v4  }
0x30: {  	v5 =	vld.idx.msk [tilespmem:v0+s19+$0xFFFFFFD0 ss:$0x1], $0xffff;
	[tilespmem:s20+$0xFFFFFFF0] =	vst v3  }
.Ltmp3:
0x31: {  	v4 =	vld.idx.msk [tilespmem:v0+s19+$0xFFFFFFE0 ss:$0x1], $0xffff;
	[tilespmem:s20+$0x0] =	vst v1;
	(pc) =	sbr.rel @p1 .LBB1_5-.Ltmp3, $4  }
0x32: {  	v3 =	vld.idx.msk [tilespmem:v0+s19+$0xFFFFFFF0 ss:$0x1], $0xffff;
	[tilespmem:s20+$0x10] =	vst v2  }
0x33: {  	v1 =	vld.idx.msk [tilespmem:v0+s19+$0x0 ss:$0x1], $0xffff;
	[tilespmem:s20+$0x20] =	vst v6;
	s20 =	sadd.s32 $0x400, s20  }
0x34: {  	v2 =	vld.idx.msk [tilespmem:v0+s19+$0x10 ss:$0x1], $0xffff;
	[tilespmem:s20+$0x30] =	vst v7  }
0x35: {  	[tilespmem:s20+$0xFFFFFFC0] =	vst v8;
	v6 =	vld.idx.msk [tilespmem:v0+s19+$0x20 ss:$0x1], $0xffff;
	s19 =	sshra.s32 s21, $0x2;
	s21 =	sadd.s32 $0x200, s21  }
0x36: {  	_ =	sdelay $0x2  }
0x37: {  	[tilespmem:s20+$0xFFFFFFD0] =	vst v5  }
0x38: {  	v56 =	vld.idx.msk [tilespmem:v0+s19+$0x30 ss:$0x1], $0xffff;
	[tilespmem:s20+$0xFFFFFFE0] =	vst v4  }
0x39: {  	v57 =	vld.idx.msk [tilespmem:v0+s19+$0xFFFFFFC0 ss:$0x1], $0xffff;
	[tilespmem:s20+$0xFFFFFFF0] =	vst v3  }
0x3a: {  	v58 =	vld.idx.msk [tilespmem:v0+s19+$0xFFFFFFD0 ss:$0x1], $0xffff;
	[tilespmem:s20+$0x0] =	vst v1  }
0x3b: {  	v59 =	vld.idx.msk [tilespmem:v0+s19+$0xFFFFFFE0 ss:$0x1], $0xffff;
	[tilespmem:s20+$0x10] =	vst v2  }
0x3c: {  	v60 =	vld.idx.msk [tilespmem:v0+s19+$0xFFFFFFF0 ss:$0x1], $0xffff;
	s31 =	sadd.s32 $0x400, s20;
	[tilespmem:s20+$0x20] =	vst v6  }
0x3d: {  	v61 =	vld.idx.msk [tilespmem:v0+s19+$0x0 ss:$0x1], $0xffff;
	[tilespmem:s31+$0x30] =	vst v56  }
0x3e: {  	v62 =	vld.idx.msk [tilespmem:v0+s19+$0x10 ss:$0x1], $0xffff;
	s18 =	sadd.s32 $0x1, s18;
	[tilespmem:s31+$0xFFFFFFC0] =	vst v57  }
0x3f: {  	v63 =	vld.idx.msk [tilespmem:v0+s19+$0x20 ss:$0x1], $0xffff;
	p1 =	sne.s32 s18, $0x8;
	[tilespmem:s31+$0xFFFFFFD0] =	vst v58  }
.Ltmp4:
0x40: {  	[tilespmem:s31+$0xFFFFFFE0] =	vst v59;
	(pc) =	sbr.rel @p1 .LBB1_4-.Ltmp4, $4  }
0x41: {  	[tilespmem:s31+$0xFFFFFFF0] =	vst v60  }
0x42: {  	[tilespmem:s31+$0x0] =	vst v61  }
0x43: {  	[tilespmem:s31+$0x10] =	vst v62  }
0x44: {  	s16 =	sadd.s32 $0x80, s16;
	s17 =	sadd.s32 $0x400, s17;
	[tilespmem:s31+$0x20] =	vst v63  }
.Ltmp5:
0x45: {  	(pc) =	sbr.rel @p0 .LBB1_3-.Ltmp5, $2  }
0x46: {  	_ =	sdelay $0x2  }
0x47: {  	s16 =	simm.s32 $0x2000;
	p1 =	por $0x0, $0x0  }
.Ltmp6:
0x48: {  	(pc) =	sbr.rel .LBB1_9-.Ltmp6, $4  }
0x49: {  	_ = 	snop  }
0x4a: {  	s12 =	sshll.u32 s12, $0xA  }
0x4b: {  	s12 =	sadd.s32 s4, s12  }
0x4c: {  	[hbm4b:s12+s8] =	stream.linear.scatter [tilespmem:s13], [sflag:$0x2], $0x4000, $0x38;
	[tilespmem:$0x10000] =	vst v63  }
.LBB1_10:
0x4d: {  	_ =	sfence.sel $0x180000  }
0x4e: {  	s2 =	simm.s32 $0x1;
	[bflag:$0x0] =	sbarrier.arrive $0xFFFF  }
0x4f: {  	s31 =	simm.s32 $0x2;
	[sflag:s2] =	ssyncpa.u1 $0x1  }
0x50: {  	[sflag:s31] =	ssyncpa.u1 $0x1  }
0x51: {  	p0 =	sne.s32 s0, $0x0;
	_ =	strace $0x90000047  }
0x52: {  	s0 =	sadd.s32 @!p0 $0x100000, s1;
	[bflag:$0x2] =	sbarrier.arrive $0xFFFF  }
0x53: {  	[sflag:s0] =	ssyncadd.tile.s32 @!p0 $0x1;
	_ =	shalt  }
.Lfunc_end1:
_tile_overlayer_lowered:
.L_overlay_start_2:
0x54: {  	(tag) =	ssettag $0x2  }
0x55: {  	s0 =	rddreg [dreg:$0x0];
	s2 =	stileid.u32  }
0x56: {  	s1 =	rddreg [dreg:$0x1];
	p0 =	sne.s32 s2, $0x0  }
0x57: {  	s3 =	rddreg [dreg:$0x2];
	[bflag:$0x3] =	sbarrier.arrive $0xFFFF;
	s2 =	simm.s32 @!p0 $0x1C01  }
0x58: {  	[timem:s3], [sflag:s2] =	dma.local @!p0 [hbm:s0], s1  }
0x59: {  	s0 =	simm.s32 @!p0 $0x1  }
0x5a: {  	_ =	swait.ge @!p0 [sflag:s0], s1  }
0x5b: {  	s1 =	ssub.s32 @!p0 $0x0, s1;
	[sflag:s0] =	ssyncset.done @!p0 $0x0  }
0x5c: {  	[sflag:s0] =	ssyncadd.s32 @!p0 s1  }
0x5d: {  	[bflag:$0x3] =	sbarrier.arrive $0xFFFF  }
0x5e: {  	_ =	shalt  }

</sc_bundles>
